<compile_context>
chip_gen: v7x
topology: tpu7x:2x2x1
jax: 0.10.2.dev20260603
libtpu: 0.0.44.dev20260713+nightly
codegen_flags: <defaults>
</compile_context>

<pallas_src>
import functools

import jax
import jax.numpy as jnp
from jax import lax
from jax.experimental import pallas as pl
from jax.experimental.pallas import tpu as pltpu
from jax.experimental.pallas import tpu_sc as plsc

BATCH = 16384
HIST = 50
EMBED = 64

_INFO = plsc.get_sparse_core_info()
NC = _INFO.num_cores
NS = _INFO.num_subcores
NW = NC * NS
RPW = BATCH // NW

RCHUNK = 8
NCHUNK = RPW // RCHUNK
NBUF = 2

_MESH = plsc.VectorSubcoreMesh(core_axis_name="c", subcore_axis_name="s")


@functools.partial(
    pl.kernel,
    out_type=jax.ShapeDtypeStruct((BATCH, HIST, EMBED), jnp.float32),
    mesh=_MESH,
    scratch_types=[
        pltpu.VMEM((RPW, HIST), jnp.int32),
        pltpu.VMEM((NBUF, RCHUNK, HIST, EMBED), jnp.float32),
        pltpu.SemaphoreType.DMA((NBUF,)),
        pltpu.SemaphoreType.DMA((NBUF,)),
    ],
    compiler_params=pltpu.CompilerParams(use_tc_tiling_on_sc=False),
)
def _gather_kernel(idx_hbm, table_hbm, out_hbm, idx_v, rows_v, gsem, wsem):
    wid = lax.axis_index("s") * NC + lax.axis_index("c")
    base = wid * RPW

    def fire_gathers(g, b):
        for j in range(RCHUNK):
            pltpu.async_copy(
                table_hbm.at[idx_v.at[g * RCHUNK + j]],
                rows_v.at[b, j],
                gsem.at[b],
            )

    def wait_gathers(b):
        pltpu.make_async_copy(
            out_hbm.at[pl.ds(base, RCHUNK)], rows_v.at[b], gsem.at[b]
        ).wait()

    def fire_write(g, b):
        pltpu.async_copy(
            rows_v.at[b],
            out_hbm.at[pl.ds(base + g * RCHUNK, RCHUNK)],
            wsem.at[b],
        )

    def wait_write(b):
        pltpu.make_async_copy(
            rows_v.at[b], out_hbm.at[pl.ds(base, RCHUNK)], wsem.at[b]
        ).wait()

    pltpu.sync_copy(idx_hbm.at[pl.ds(base, RPW)], idx_v)

    for b in range(NBUF):
        fire_gathers(b, b)

    def group(p, carry):
        for b in range(NBUF):
            g = p * NBUF + b
            wait_gathers(b)
            fire_write(g, b)
            wait_write(b)
            fire_gathers(g + NBUF, b)
        return carry

    lax.fori_loop(0, (NCHUNK - NBUF) // NBUF, group, 0)

    for b in range(NBUF):
        g = NCHUNK - NBUF + b
        wait_gathers(b)
        fire_write(g, b)
        wait_write(b)


def kernel(input, weight):
    if input.dtype != jnp.int32:
        input = input.astype(jnp.int32)
    return _gather_kernel(input, weight)

# --- scband reference (transcript-rebuilt; emitter-appended) ---
"""Pipeline reference for scband-tensor-parallel-embedding-38732015075355 (READ-ONLY COPY).

The authoritative reference and input builder live on the scoring server;
editing this copy changes nothing except your own understanding.
"""

import jax, jax.numpy as jnp
import numpy as np

VOCAB = 1000000
EMBED_DIM = 64
BATCH = 16384
HIST = 50
WORLD_SIZE = 1
RANK = 0
BLOCK = VOCAB // WORLD_SIZE
MIN_ID = RANK * BLOCK
MAX_ID = (RANK + 1) * BLOCK
NULL_IDX = BLOCK


def setup_inputs(seed: int = 0) -> dict:
    key = jax.random.key(seed)
    k1, k2 = jax.random.split(key)
    input_ids = jax.random.randint(k1, (BATCH, HIST), 0, VOCAB, dtype=jnp.int64 if jax.config.jax_enable_x64 else jnp.int32)
    # Sharded weight block [BLOCK, EMBED_DIM], padded with one extra zero row (null entry)
    weight = jax.random.normal(k2, (BLOCK, EMBED_DIM), dtype=jnp.float32) * 0.02
    weight = jnp.concatenate([weight, jnp.zeros((1, EMBED_DIM), dtype=jnp.float32)], axis=0)
    return {"input": input_ids, "weight": weight}


def reference(input, weight):
    # Mask ids outside this rank's shard to the null (zero) row, shift into local range
    masked = jnp.where((input < MIN_ID) | (input >= MAX_ID), NULL_IDX, input - MIN_ID)
    out = jnp.take(weight, masked, axis=0)
    # torch.distributed.all_reduce across world_size=1 is identity
    return out

if __name__ == "__main__":
    import jax
    _d = setup_inputs()
    print(jax.jit(kernel)(*tuple(_d.values())))

</pallas_src>

<mosaic_0001>
#map = affine_map<(d0, d1) -> (0, 0)>
#map1 = affine_map<(d0, d1) -> (0, 0, 0)>
module attributes {stable_mosaic.version = 14 : i64} {
  func.func @_gather_kernel(%arg0: i32, %arg1: i32, %arg2: memref<16384x50xi32, #tpu.memory_space<hbm>>, %arg3: memref<1000001x64xf32, #tpu.memory_space<hbm>>, %arg4: memref<16384x50x64xf32, #tpu.memory_space<hbm>>, %arg5: memref<512x50xi32, #tpu.memory_space<vmem>>, %arg6: memref<2x8x50x64xf32, #tpu.memory_space<vmem>>, %arg7: memref<2x!tpu.dma_semaphore, #tpu.memory_space<semaphore_mem>>, %arg8: memref<2x!tpu.dma_semaphore, #tpu.memory_space<semaphore_mem>>) attributes {dimension_semantics = [#tpu.dimension_semantics<core_parallel>, #tpu.dimension_semantics<subcore_parallel>], iteration_bounds = array<i64: 2, 16>, scalar_prefetch = 0 : i64, scratch_operands = 4 : i64, tpu.core_type = #tpu.core_type<sc_vector_subcore>, window_params = [{transform_indices = #map}, {transform_indices = #map}, {transform_indices = #map1}]} {
    %mul3A = arith.constant 2 : i32
    %mul3A_0 = arith.muli %arg1, %mul3A : i32
    %add3A = arith.addi %mul3A_0, %arg0 : i32
    %mul3A_1 = arith.constant 512 : i32
    %mul3A_2 = arith.muli %add3A, %mul3A_1 : i32
    "tpu.region"() ({
      %run_scoped3A = tpu.sem_alloc : memref<!tpu.dma_semaphore, #tpu.memory_space<semaphore_mem>>
      %dma_start3A_386 = arith.constant 0 : i32
      %dma_start3A_387 = tpu.memref_slice %arg2[%mul3A_2, %dma_start3A_386] : memref<16384x50xi32, #tpu.memory_space<hbm>> -> memref<512x50xi32, #tpu.memory_space<hbm>>
      %dma_start3A_388 = arith.constant 0 : i32
      %dma_start3A_389 = tpu.memref_slice %arg2[%mul3A_2, %dma_start3A_388] : memref<16384x50xi32, #tpu.memory_space<hbm>> -> memref<512x50xi32, #tpu.memory_space<hbm>>
      tpu.enqueue_dma source(%dma_start3A_389 : memref<512x50xi32, #tpu.memory_space<hbm>>) target(%arg5 : memref<512x50xi32, #tpu.memory_space<vmem>>) target_semaphore(%run_scoped3A : memref<!tpu.dma_semaphore, #tpu.memory_space<semaphore_mem>>)
      %dma_wait3A_390 = arith.constant 0 : i32
      %dma_wait3A_391 = tpu.memref_slice %arg2[%mul3A_2, %dma_wait3A_390] : memref<16384x50xi32, #tpu.memory_space<hbm>> -> memref<512x50xi32, #tpu.memory_space<hbm>>
      %dma_wait3A_392 = arith.constant 0 : i32
      %dma_wait3A_393 = tpu.memref_slice %arg2[%mul3A_2, %dma_wait3A_392] : memref<16384x50xi32, #tpu.memory_space<hbm>> -> memref<512x50xi32, #tpu.memory_space<hbm>>
      tpu.wait_dma2 semaphore(%run_scoped3A : memref<!tpu.dma_semaphore, #tpu.memory_space<semaphore_mem>>) src(%dma_wait3A_393 : memref<512x50xi32, #tpu.memory_space<hbm>>) dst(%arg5 : memref<512x50xi32, #tpu.memory_space<vmem>>)
      tpu.yield
    }) : () -> ()
    %dma_start3A = arith.constant 0 : i32
    %dma_start3A_3 = arith.constant 0 : i32
    %dma_start3A_4 = arith.constant 0 : i32
    %dma_start3A_5 = arith.constant 0 : i32
    %dma_start3A_6 = arith.constant 0 : i32
    %dma_start3A_7 = arith.constant 0 : i32
    %dma_start3A_8 = tpu.memref_slice %arg6[%dma_start3A_3, %dma_start3A_4, %dma_start3A_6, %dma_start3A_7] : memref<2x8x50x64xf32, #tpu.memory_space<vmem>> -> memref<1x1x50x64xf32, #tpu.memory_space<vmem>>
    %dma_start3A_9 = tpu.memref_squeeze %dma_start3A_8 : memref<1x1x50x64xf32, #tpu.memory_space<vmem>> -> memref<50x64xf32, #tpu.memory_space<vmem>>
    %dma_start3A_10 = arith.constant 0 : i32
    %dma_start3A_11 = tpu.memref_slice %arg5[%dma_start3A, %dma_start3A_10] : memref<512x50xi32, #tpu.memory_space<vmem>> -> memref<1x50xi32, #tpu.memory_space<vmem>>
    %dma_start3A_12 = tpu.memref_squeeze %dma_start3A_11 : memref<1x50xi32, #tpu.memory_space<vmem>> -> memref<50xi32, #tpu.memory_space<vmem>>
    %dma_start3A_13 = arith.constant 0 : i32
    %dma_start3A_14 = arith.constant 0 : i32
    %dma_start3A_15 = tpu.memref_slice %arg3[%dma_start3A_13, %dma_start3A_14] : memref<1000001x64xf32, #tpu.memory_space<hbm>> -> memref<1000001x64xf32, #tpu.memory_space<hbm>>
    %dma_start3A_16 = tpu.memref_slice %arg7[%dma_start3A_5] : memref<2x!tpu.dma_semaphore, #tpu.memory_space<semaphore_mem>> -> memref<1x!tpu.dma_semaphore, #tpu.memory_space<semaphore_mem>>
    %dma_start3A_17 = tpu.memref_squeeze %dma_start3A_16 : memref<1x!tpu.dma_semaphore, #tpu.memory_space<semaphore_mem>> -> memref<!tpu.dma_semaphore, #tpu.memory_space<semaphore_mem>>
    tpu.enqueue_indirect_dma source(%dma_start3A_15 : memref<1000001x64xf32, #tpu.memory_space<hbm>>) target(%dma_start3A_9 : memref<50x64xf32, #tpu.memory_space<vmem>>) offsets(%dma_start3A_12 : memref<50xi32, #tpu.memory_space<vmem>>) semaphore(%dma_start3A_17 : memref<!tpu.dma_semaphore, #tpu.memory_space<semaphore_mem>>)
    %dma_start3A_18 = arith.constant 1 : i32
    %dma_start3A_19 = arith.constant 0 : i32
    %dma_start3A_20 = arith.constant 1 : i32
    %dma_start3A_21 = arith.constant 0 : i32
    %dma_start3A_22 = arith.constant 0 : i32
    %dma_start3A_23 = arith.constant 0 : i32
    %dma_start3A_24 = tpu.memref_slice %arg6[%dma_start3A_19, %dma_start3A_20, %dma_start3A_22, %dma_start3A_23] : memref<2x8x50x64xf32, #tpu.memory_space<vmem>> -> memref<1x1x50x64xf32, #tpu.memory_space<vmem>>
    %dma_start3A_25 = tpu.memref_squeeze %dma_start3A_24 : memref<1x1x50x64xf32, #tpu.memory_space<vmem>> -> memref<50x64xf32, #tpu.memory_space<vmem>>
    %dma_start3A_26 = arith.constant 0 : i32
    %dma_start3A_27 = tpu.memref_slice %arg5[%dma_start3A_18, %dma_start3A_26] : memref<512x50xi32, #tpu.memory_space<vmem>> -> memref<1x50xi32, #tpu.memory_space<vmem>>
    %dma_start3A_28 = tpu.memref_squeeze %dma_start3A_27 : memref<1x50xi32, #tpu.memory_space<vmem>> -> memref<50xi32, #tpu.memory_space<vmem>>
    %dma_start3A_29 = arith.constant 0 : i32
    %dma_start3A_30 = arith.constant 0 : i32
    %dma_start3A_31 = tpu.memref_slice %arg3[%dma_start3A_29, %dma_start3A_30] : memref<1000001x64xf32, #tpu.memory_space<hbm>> -> memref<1000001x64xf32, #tpu.memory_space<hbm>>
    %dma_start3A_32 = tpu.memref_slice %arg7[%dma_start3A_21] : memref<2x!tpu.dma_semaphore, #tpu.memory_space<semaphore_mem>> -> memref<1x!tpu.dma_semaphore, #tpu.memory_space<semaphore_mem>>
    %dma_start3A_33 = tpu.memref_squeeze %dma_start3A_32 : memref<1x!tpu.dma_semaphore, #tpu.memory_space<semaphore_mem>> -> memref<!tpu.dma_semaphore, #tpu.memory_space<semaphore_mem>>
    tpu.enqueue_indirect_dma source(%dma_start3A_31 : memref<1000001x64xf32, #tpu.memory_space<hbm>>) target(%dma_start3A_25 : memref<50x64xf32, #tpu.memory_space<vmem>>) offsets(%dma_start3A_28 : memref<50xi32, #tpu.memory_space<vmem>>) semaphore(%dma_start3A_33 : memref<!tpu.dma_semaphore, #tpu.memory_space<semaphore_mem>>)
    %dma_start3A_34 = arith.constant 2 : i32
    %dma_start3A_35 = arith.constant 0 : i32
    %dma_start3A_36 = arith.constant 2 : i32
    %dma_start3A_37 = arith.constant 0 : i32
    %dma_start3A_38 = arith.constant 0 : i32
    %dma_start3A_39 = arith.constant 0 : i32
    %dma_start3A_40 = tpu.memref_slice %arg6[%dma_start3A_35, %dma_start3A_36, %dma_start3A_38, %dma_start3A_39] : memref<2x8x50x64xf32, #tpu.memory_space<vmem>> -> memref<1x1x50x64xf32, #tpu.memory_space<vmem>>
    %dma_start3A_41 = tpu.memref_squeeze %dma_start3A_40 : memref<1x1x50x64xf32, #tpu.memory_space<vmem>> -> memref<50x64xf32, #tpu.memory_space<vmem>>
    %dma_start3A_42 = arith.constant 0 : i32
    %dma_start3A_43 = tpu.memref_slice %arg5[%dma_start3A_34, %dma_start3A_42] : memref<512x50xi32, #tpu.memory_space<vmem>> -> memref<1x50xi32, #tpu.memory_space<vmem>>
    %dma_start3A_44 = tpu.memref_squeeze %dma_start3A_43 : memref<1x50xi32, #tpu.memory_space<vmem>> -> memref<50xi32, #tpu.memory_space<vmem>>
    %dma_start3A_45 = arith.constant 0 : i32
    %dma_start3A_46 = arith.constant 0 : i32
    %dma_start3A_47 = tpu.memref_slice %arg3[%dma_start3A_45, %dma_start3A_46] : memref<1000001x64xf32, #tpu.memory_space<hbm>> -> memref<1000001x64xf32, #tpu.memory_space<hbm>>
    %dma_start3A_48 = tpu.memref_slice %arg7[%dma_start3A_37] : memref<2x!tpu.dma_semaphore, #tpu.memory_space<semaphore_mem>> -> memref<1x!tpu.dma_semaphore, #tpu.memory_space<semaphore_mem>>
    %dma_start3A_49 = tpu.memref_squeeze %dma_start3A_48 : memref<1x!tpu.dma_semaphore, #tpu.memory_space<semaphore_mem>> -> memref<!tpu.dma_semaphore, #tpu.memory_space<semaphore_mem>>
    tpu.enqueue_indirect_dma source(%dma_start3A_47 : memref<1000001x64xf32, #tpu.memory_space<hbm>>) target(%dma_start3A_41 : memref<50x64xf32, #tpu.memory_space<vmem>>) offsets(%dma_start3A_44 : memref<50xi32, #tpu.memory_space<vmem>>) semaphore(%dma_start3A_49 : memref<!tpu.dma_semaphore, #tpu.memory_space<semaphore_mem>>)
    %dma_start3A_50 = arith.constant 3 : i32
    %dma_start3A_51 = arith.constant 0 : i32
    %dma_start3A_52 = arith.constant 3 : i32
    %dma_start3A_53 = arith.constant 0 : i32
    %dma_start3A_54 = arith.constant 0 : i32
    %dma_start3A_55 = arith.constant 0 : i32
    %dma_start3A_56 = tpu.memref_slice %arg6[%dma_start3A_51, %dma_start3A_52, %dma_start3A_54, %dma_start3A_55] : memref<2x8x50x64xf32, #tpu.memory_space<vmem>> -> memref<1x1x50x64xf32, #tpu.memory_space<vmem>>
    %dma_start3A_57 = tpu.memref_squeeze %dma_start3A_56 : memref<1x1x50x64xf32, #tpu.memory_space<vmem>> -> memref<50x64xf32, #tpu.memory_space<vmem>>
    %dma_start3A_58 = arith.constant 0 : i32
    %dma_start3A_59 = tpu.memref_slice %arg5[%dma_start3A_50, %dma_start3A_58] : memref<512x50xi32, #tpu.memory_space<vmem>> -> memref<1x50xi32, #tpu.memory_space<vmem>>
    %dma_start3A_60 = tpu.memref_squeeze %dma_start3A_59 : memref<1x50xi32, #tpu.memory_space<vmem>> -> memref<50xi32, #tpu.memory_space<vmem>>
    %dma_start3A_61 = arith.constant 0 : i32
    %dma_start3A_62 = arith.constant 0 : i32
    %dma_start3A_63 = tpu.memref_slice %arg3[%dma_start3A_61, %dma_start3A_62] : memref<1000001x64xf32, #tpu.memory_space<hbm>> -> memref<1000001x64xf32, #tpu.memory_space<hbm>>
    %dma_start3A_64 = tpu.memref_slice %arg7[%dma_start3A_53] : memref<2x!tpu.dma_semaphore, #tpu.memory_space<semaphore_mem>> -> memref<1x!tpu.dma_semaphore, #tpu.memory_space<semaphore_mem>>
    %dma_start3A_65 = tpu.memref_squeeze %dma_start3A_64 : memref<1x!tpu.dma_semaphore, #tpu.memory_space<semaphore_mem>> -> memref<!tpu.dma_semaphore, #tpu.memory_space<semaphore_mem>>
    tpu.enqueue_indirect_dma source(%dma_start3A_63 : memref<1000001x64xf32, #tpu.memory_space<hbm>>) target(%dma_start3A_57 : memref<50x64xf32, #tpu.memory_space<vmem>>) offsets(%dma_start3A_60 : memref<50xi32, #tpu.memory_space<vmem>>) semaphore(%dma_start3A_65 : memref<!tpu.dma_semaphore, #tpu.memory_space<semaphore_mem>>)
    %dma_start3A_66 = arith.constant 4 : i32
    %dma_start3A_67 = arith.constant 0 : i32
    %dma_start3A_68 = arith.constant 4 : i32
    %dma_start3A_69 = arith.constant 0 : i32
    %dma_start3A_70 = arith.constant 0 : i32
    %dma_start3A_71 = arith.constant 0 : i32
    %dma_start3A_72 = tpu.memref_slice %arg6[%dma_start3A_67, %dma_start3A_68, %dma_start3A_70, %dma_start3A_71] : memref<2x8x50x64xf32, #tpu.memory_space<vmem>> -> memref<1x1x50x64xf32, #tpu.memory_space<vmem>>
    %dma_start3A_73 = tpu.memref_squeeze %dma_start3A_72 : memref<1x1x50x64xf32, #tpu.memory_space<vmem>> -> memref<50x64xf32, #tpu.memory_space<vmem>>
    %dma_start3A_74 = arith.constant 0 : i32
    %dma_start3A_75 = tpu.memref_slice %arg5[%dma_start3A_66, %dma_start3A_74] : memref<512x50xi32, #tpu.memory_space<vmem>> -> memref<1x50xi32, #tpu.memory_space<vmem>>
    %dma_start3A_76 = tpu.memref_squeeze %dma_start3A_75 : memref<1x50xi32, #tpu.memory_space<vmem>> -> memref<50xi32, #tpu.memory_space<vmem>>
    %dma_start3A_77 = arith.constant 0 : i32
    %dma_start3A_78 = arith.constant 0 : i32
    %dma_start3A_79 = tpu.memref_slice %arg3[%dma_start3A_77, %dma_start3A_78] : memref<1000001x64xf32, #tpu.memory_space<hbm>> -> memref<1000001x64xf32, #tpu.memory_space<hbm>>
    %dma_start3A_80 = tpu.memref_slice %arg7[%dma_start3A_69] : memref<2x!tpu.dma_semaphore, #tpu.memory_space<semaphore_mem>> -> memref<1x!tpu.dma_semaphore, #tpu.memory_space<semaphore_mem>>
    %dma_start3A_81 = tpu.memref_squeeze %dma_start3A_80 : memref<1x!tpu.dma_semaphore, #tpu.memory_space<semaphore_mem>> -> memref<!tpu.dma_semaphore, #tpu.memory_space<semaphore_mem>>
    tpu.enqueue_indirect_dma source(%dma_start3A_79 : memref<1000001x64xf32, #tpu.memory_space<hbm>>) target(%dma_start3A_73 : memref<50x64xf32, #tpu.memory_space<vmem>>) offsets(%dma_start3A_76 : memref<50xi32, #tpu.memory_space<vmem>>) semaphore(%dma_start3A_81 : memref<!tpu.dma_semaphore, #tpu.memory_space<semaphore_mem>>)
    %dma_start3A_82 = arith.constant 5 : i32
    %dma_start3A_83 = arith.constant 0 : i32
    %dma_start3A_84 = arith.constant 5 : i32
    %dma_start3A_85 = arith.constant 0 : i32
    %dma_start3A_86 = arith.constant 0 : i32
    %dma_start3A_87 = arith.constant 0 : i32
    %dma_start3A_88 = tpu.memref_slice %arg6[%dma_start3A_83, %dma_start3A_84, %dma_start3A_86, %dma_start3A_87] : memref<2x8x50x64xf32, #tpu.memory_space<vmem>> -> memref<1x1x50x64xf32, #tpu.memory_space<vmem>>
    %dma_start3A_89 = tpu.memref_squeeze %dma_start3A_88 : memref<1x1x50x64xf32, #tpu.memory_space<vmem>> -> memref<50x64xf32, #tpu.memory_space<vmem>>
    %dma_start3A_90 = arith.constant 0 : i32
    %dma_start3A_91 = tpu.memref_slice %arg5[%dma_start3A_82, %dma_start3A_90] : memref<512x50xi32, #tpu.memory_space<vmem>> -> memref<1x50xi32, #tpu.memory_space<vmem>>
    %dma_start3A_92 = tpu.memref_squeeze %dma_start3A_91 : memref<1x50xi32, #tpu.memory_space<vmem>> -> memref<50xi32, #tpu.memory_space<vmem>>
    %dma_start3A_93 = arith.constant 0 : i32
    %dma_start3A_94 = arith.constant 0 : i32
    %dma_start3A_95 = tpu.memref_slice %arg3[%dma_start3A_93, %dma_start3A_94] : memref<1000001x64xf32, #tpu.memory_space<hbm>> -> memref<1000001x64xf32, #tpu.memory_space<hbm>>
    %dma_start3A_96 = tpu.memref_slice %arg7[%dma_start3A_85] : memref<2x!tpu.dma_semaphore, #tpu.memory_space<semaphore_mem>> -> memref<1x!tpu.dma_semaphore, #tpu.memory_space<semaphore_mem>>
    %dma_start3A_97 = tpu.memref_squeeze %dma_start3A_96 : memref<1x!tpu.dma_semaphore, #tpu.memory_space<semaphore_mem>> -> memref<!tpu.dma_semaphore, #tpu.memory_space<semaphore_mem>>
    tpu.enqueue_indirect_dma source(%dma_start3A_95 : memref<1000001x64xf32, #tpu.memory_space<hbm>>) target(%dma_start3A_89 : memref<50x64xf32, #tpu.memory_space<vmem>>) offsets(%dma_start3A_92 : memref<50xi32, #tpu.memory_space<vmem>>) semaphore(%dma_start3A_97 : memref<!tpu.dma_semaphore, #tpu.memory_space<semaphore_mem>>)
    %dma_start3A_98 = arith.constant 6 : i32
    %dma_start3A_99 = arith.constant 0 : i32
    %dma_start3A_100 = arith.constant 6 : i32
    %dma_start3A_101 = arith.constant 0 : i32
    %dma_start3A_102 = arith.constant 0 : i32
    %dma_start3A_103 = arith.constant 0 : i32
    %dma_start3A_104 = tpu.memref_slice %arg6[%dma_start3A_99, %dma_start3A_100, %dma_start3A_102, %dma_start3A_103] : memref<2x8x50x64xf32, #tpu.memory_space<vmem>> -> memref<1x1x50x64xf32, #tpu.memory_space<vmem>>
    %dma_start3A_105 = tpu.memref_squeeze %dma_start3A_104 : memref<1x1x50x64xf32, #tpu.memory_space<vmem>> -> memref<50x64xf32, #tpu.memory_space<vmem>>
    %dma_start3A_106 = arith.constant 0 : i32
    %dma_start3A_107 = tpu.memref_slice %arg5[%dma_start3A_98, %dma_start3A_106] : memref<512x50xi32, #tpu.memory_space<vmem>> -> memref<1x50xi32, #tpu.memory_space<vmem>>
    %dma_start3A_108 = tpu.memref_squeeze %dma_start3A_107 : memref<1x50xi32, #tpu.memory_space<vmem>> -> memref<50xi32, #tpu.memory_space<vmem>>
    %dma_start3A_109 = arith.constant 0 : i32
    %dma_start3A_110 = arith.constant 0 : i32
    %dma_start3A_111 = tpu.memref_slice %arg3[%dma_start3A_109, %dma_start3A_110] : memref<1000001x64xf32, #tpu.memory_space<hbm>> -> memref<1000001x64xf32, #tpu.memory_space<hbm>>
    %dma_start3A_112 = tpu.memref_slice %arg7[%dma_start3A_101] : memref<2x!tpu.dma_semaphore, #tpu.memory_space<semaphore_mem>> -> memref<1x!tpu.dma_semaphore, #tpu.memory_space<semaphore_mem>>
    %dma_start3A_113 = tpu.memref_squeeze %dma_start3A_112 : memref<1x!tpu.dma_semaphore, #tpu.memory_space<semaphore_mem>> -> memref<!tpu.dma_semaphore, #tpu.memory_space<semaphore_mem>>
    tpu.enqueue_indirect_dma source(%dma_start3A_111 : memref<1000001x64xf32, #tpu.memory_space<hbm>>) target(%dma_start3A_105 : memref<50x64xf32, #tpu.memory_space<vmem>>) offsets(%dma_start3A_108 : memref<50xi32, #tpu.memory_space<vmem>>) semaphore(%dma_start3A_113 : memref<!tpu.dma_semaphore, #tpu.memory_space<semaphore_mem>>)
    %dma_start3A_114 = arith.constant 7 : i32
    %dma_start3A_115 = arith.constant 0 : i32
    %dma_start3A_116 = arith.constant 7 : i32
    %dma_start3A_117 = arith.constant 0 : i32
    %dma_start3A_118 = arith.constant 0 : i32
    %dma_start3A_119 = arith.constant 0 : i32
    %dma_start3A_120 = tpu.memref_slice %arg6[%dma_start3A_115, %dma_start3A_116, %dma_start3A_118, %dma_start3A_119] : memref<2x8x50x64xf32, #tpu.memory_space<vmem>> -> memref<1x1x50x64xf32, #tpu.memory_space<vmem>>
    %dma_start3A_121 = tpu.memref_squeeze %dma_start3A_120 : memref<1x1x50x64xf32, #tpu.memory_space<vmem>> -> memref<50x64xf32, #tpu.memory_space<vmem>>
    %dma_start3A_122 = arith.constant 0 : i32
    %dma_start3A_123 = tpu.memref_slice %arg5[%dma_start3A_114, %dma_start3A_122] : memref<512x50xi32, #tpu.memory_space<vmem>> -> memref<1x50xi32, #tpu.memory_space<vmem>>
    %dma_start3A_124 = tpu.memref_squeeze %dma_start3A_123 : memref<1x50xi32, #tpu.memory_space<vmem>> -> memref<50xi32, #tpu.memory_space<vmem>>
    %dma_start3A_125 = arith.constant 0 : i32
    %dma_start3A_126 = arith.constant 0 : i32
    %dma_start3A_127 = tpu.memref_slice %arg3[%dma_start3A_125, %dma_start3A_126] : memref<1000001x64xf32, #tpu.memory_space<hbm>> -> memref<1000001x64xf32, #tpu.memory_space<hbm>>
    %dma_start3A_128 = tpu.memref_slice %arg7[%dma_start3A_117] : memref<2x!tpu.dma_semaphore, #tpu.memory_space<semaphore_mem>> -> memref<1x!tpu.dma_semaphore, #tpu.memory_space<semaphore_mem>>
    %dma_start3A_129 = tpu.memref_squeeze %dma_start3A_128 : memref<1x!tpu.dma_semaphore, #tpu.memory_space<semaphore_mem>> -> memref<!tpu.dma_semaphore, #tpu.memory_space<semaphore_mem>>
    tpu.enqueue_indirect_dma source(%dma_start3A_127 : memref<1000001x64xf32, #tpu.memory_space<hbm>>) target(%dma_start3A_121 : memref<50x64xf32, #tpu.memory_space<vmem>>) offsets(%dma_start3A_124 : memref<50xi32, #tpu.memory_space<vmem>>) semaphore(%dma_start3A_129 : memref<!tpu.dma_semaphore, #tpu.memory_space<semaphore_mem>>)
    %dma_start3A_130 = arith.constant 8 : i32
    %dma_start3A_131 = arith.constant 1 : i32
    %dma_start3A_132 = arith.constant 0 : i32
    %dma_start3A_133 = arith.constant 1 : i32
    %dma_start3A_134 = arith.constant 0 : i32
    %dma_start3A_135 = arith.constant 0 : i32
    %dma_start3A_136 = tpu.memref_slice %arg6[%dma_start3A_131, %dma_start3A_132, %dma_start3A_134, %dma_start3A_135] : memref<2x8x50x64xf32, #tpu.memory_space<vmem>> -> memref<1x1x50x64xf32, #tpu.memory_space<vmem>>
    %dma_start3A_137 = tpu.memref_squeeze %dma_start3A_136 : memref<1x1x50x64xf32, #tpu.memory_space<vmem>> -> memref<50x64xf32, #tpu.memory_space<vmem>>
    %dma_start3A_138 = arith.constant 0 : i32
    %dma_start3A_139 = tpu.memref_slice %arg5[%dma_start3A_130, %dma_start3A_138] : memref<512x50xi32, #tpu.memory_space<vmem>> -> memref<1x50xi32, #tpu.memory_space<vmem>>
    %dma_start3A_140 = tpu.memref_squeeze %dma_start3A_139 : memref<1x50xi32, #tpu.memory_space<vmem>> -> memref<50xi32, #tpu.memory_space<vmem>>
    %dma_start3A_141 = arith.constant 0 : i32
    %dma_start3A_142 = arith.constant 0 : i32
    %dma_start3A_143 = tpu.memref_slice %arg3[%dma_start3A_141, %dma_start3A_142] : memref<1000001x64xf32, #tpu.memory_space<hbm>> -> memref<1000001x64xf32, #tpu.memory_space<hbm>>
    %dma_start3A_144 = tpu.memref_slice %arg7[%dma_start3A_133] : memref<2x!tpu.dma_semaphore, #tpu.memory_space<semaphore_mem>> -> memref<1x!tpu.dma_semaphore, #tpu.memory_space<semaphore_mem>>
    %dma_start3A_145 = tpu.memref_squeeze %dma_start3A_144 : memref<1x!tpu.dma_semaphore, #tpu.memory_space<semaphore_mem>> -> memref<!tpu.dma_semaphore, #tpu.memory_space<semaphore_mem>>
    tpu.enqueue_indirect_dma source(%dma_start3A_143 : memref<1000001x64xf32, #tpu.memory_space<hbm>>) target(%dma_start3A_137 : memref<50x64xf32, #tpu.memory_space<vmem>>) offsets(%dma_start3A_140 : memref<50xi32, #tpu.memory_space<vmem>>) semaphore(%dma_start3A_145 : memref<!tpu.dma_semaphore, #tpu.memory_space<semaphore_mem>>)
    %dma_start3A_146 = arith.constant 9 : i32
    %dma_start3A_147 = arith.constant 1 : i32
    %dma_start3A_148 = arith.constant 1 : i32
    %dma_start3A_149 = arith.constant 1 : i32
    %dma_start3A_150 = arith.constant 0 : i32
    %dma_start3A_151 = arith.constant 0 : i32
    %dma_start3A_152 = tpu.memref_slice %arg6[%dma_start3A_147, %dma_start3A_148, %dma_start3A_150, %dma_start3A_151] : memref<2x8x50x64xf32, #tpu.memory_space<vmem>> -> memref<1x1x50x64xf32, #tpu.memory_space<vmem>>
    %dma_start3A_153 = tpu.memref_squeeze %dma_start3A_152 : memref<1x1x50x64xf32, #tpu.memory_space<vmem>> -> memref<50x64xf32, #tpu.memory_space<vmem>>
    %dma_start3A_154 = arith.constant 0 : i32
    %dma_start3A_155 = tpu.memref_slice %arg5[%dma_start3A_146, %dma_start3A_154] : memref<512x50xi32, #tpu.memory_space<vmem>> -> memref<1x50xi32, #tpu.memory_space<vmem>>
    %dma_start3A_156 = tpu.memref_squeeze %dma_start3A_155 : memref<1x50xi32, #tpu.memory_space<vmem>> -> memref<50xi32, #tpu.memory_space<vmem>>
    %dma_start3A_157 = arith.constant 0 : i32
    %dma_start3A_158 = arith.constant 0 : i32
    %dma_start3A_159 = tpu.memref_slice %arg3[%dma_start3A_157, %dma_start3A_158] : memref<1000001x64xf32, #tpu.memory_space<hbm>> -> memref<1000001x64xf32, #tpu.memory_space<hbm>>
    %dma_start3A_160 = tpu.memref_slice %arg7[%dma_start3A_149] : memref<2x!tpu.dma_semaphore, #tpu.memory_space<semaphore_mem>> -> memref<1x!tpu.dma_semaphore, #tpu.memory_space<semaphore_mem>>
    %dma_start3A_161 = tpu.memref_squeeze %dma_start3A_160 : memref<1x!tpu.dma_semaphore, #tpu.memory_space<semaphore_mem>> -> memref<!tpu.dma_semaphore, #tpu.memory_space<semaphore_mem>>
    tpu.enqueue_indirect_dma source(%dma_start3A_159 : memref<1000001x64xf32, #tpu.memory_space<hbm>>) target(%dma_start3A_153 : memref<50x64xf32, #tpu.memory_space<vmem>>) offsets(%dma_start3A_156 : memref<50xi32, #tpu.memory_space<vmem>>) semaphore(%dma_start3A_161 : memref<!tpu.dma_semaphore, #tpu.memory_space<semaphore_mem>>)
    %dma_start3A_162 = arith.constant 10 : i32
    %dma_start3A_163 = arith.constant 1 : i32
    %dma_start3A_164 = arith.constant 2 : i32
    %dma_start3A_165 = arith.constant 1 : i32
    %dma_start3A_166 = arith.constant 0 : i32
    %dma_start3A_167 = arith.constant 0 : i32
    %dma_start3A_168 = tpu.memref_slice %arg6[%dma_start3A_163, %dma_start3A_164, %dma_start3A_166, %dma_start3A_167] : memref<2x8x50x64xf32, #tpu.memory_space<vmem>> -> memref<1x1x50x64xf32, #tpu.memory_space<vmem>>
    %dma_start3A_169 = tpu.memref_squeeze %dma_start3A_168 : memref<1x1x50x64xf32, #tpu.memory_space<vmem>> -> memref<50x64xf32, #tpu.memory_space<vmem>>
    %dma_start3A_170 = arith.constant 0 : i32
    %dma_start3A_171 = tpu.memref_slice %arg5[%dma_start3A_162, %dma_start3A_170] : memref<512x50xi32, #tpu.memory_space<vmem>> -> memref<1x50xi32, #tpu.memory_space<vmem>>
    %dma_start3A_172 = tpu.memref_squeeze %dma_start3A_171 : memref<1x50xi32, #tpu.memory_space<vmem>> -> memref<50xi32, #tpu.memory_space<vmem>>
    %dma_start3A_173 = arith.constant 0 : i32
    %dma_start3A_174 = arith.constant 0 : i32
    %dma_start3A_175 = tpu.memref_slice %arg3[%dma_start3A_173, %dma_start3A_174] : memref<1000001x64xf32, #tpu.memory_space<hbm>> -> memref<1000001x64xf32, #tpu.memory_space<hbm>>
    %dma_start3A_176 = tpu.memref_slice %arg7[%dma_start3A_165] : memref<2x!tpu.dma_semaphore, #tpu.memory_space<semaphore_mem>> -> memref<1x!tpu.dma_semaphore, #tpu.memory_space<semaphore_mem>>
    %dma_start3A_177 = tpu.memref_squeeze %dma_start3A_176 : memref<1x!tpu.dma_semaphore, #tpu.memory_space<semaphore_mem>> -> memref<!tpu.dma_semaphore, #tpu.memory_space<semaphore_mem>>
    tpu.enqueue_indirect_dma source(%dma_start3A_175 : memref<1000001x64xf32, #tpu.memory_space<hbm>>) target(%dma_start3A_169 : memref<50x64xf32, #tpu.memory_space<vmem>>) offsets(%dma_start3A_172 : memref<50xi32, #tpu.memory_space<vmem>>) semaphore(%dma_start3A_177 : memref<!tpu.dma_semaphore, #tpu.memory_space<semaphore_mem>>)
    %dma_start3A_178 = arith.constant 11 : i32
    %dma_start3A_179 = arith.constant 1 : i32
    %dma_start3A_180 = arith.constant 3 : i32
    %dma_start3A_181 = arith.constant 1 : i32
    %dma_start3A_182 = arith.constant 0 : i32
    %dma_start3A_183 = arith.constant 0 : i32
    %dma_start3A_184 = tpu.memref_slice %arg6[%dma_start3A_179, %dma_start3A_180, %dma_start3A_182, %dma_start3A_183] : memref<2x8x50x64xf32, #tpu.memory_space<vmem>> -> memref<1x1x50x64xf32, #tpu.memory_space<vmem>>
    %dma_start3A_185 = tpu.memref_squeeze %dma_start3A_184 : memref<1x1x50x64xf32, #tpu.memory_space<vmem>> -> memref<50x64xf32, #tpu.memory_space<vmem>>
    %dma_start3A_186 = arith.constant 0 : i32
    %dma_start3A_187 = tpu.memref_slice %arg5[%dma_start3A_178, %dma_start3A_186] : memref<512x50xi32, #tpu.memory_space<vmem>> -> memref<1x50xi32, #tpu.memory_space<vmem>>
    %dma_start3A_188 = tpu.memref_squeeze %dma_start3A_187 : memref<1x50xi32, #tpu.memory_space<vmem>> -> memref<50xi32, #tpu.memory_space<vmem>>
    %dma_start3A_189 = arith.constant 0 : i32
    %dma_start3A_190 = arith.constant 0 : i32
    %dma_start3A_191 = tpu.memref_slice %arg3[%dma_start3A_189, %dma_start3A_190] : memref<1000001x64xf32, #tpu.memory_space<hbm>> -> memref<1000001x64xf32, #tpu.memory_space<hbm>>
    %dma_start3A_192 = tpu.memref_slice %arg7[%dma_start3A_181] : memref<2x!tpu.dma_semaphore, #tpu.memory_space<semaphore_mem>> -> memref<1x!tpu.dma_semaphore, #tpu.memory_space<semaphore_mem>>
    %dma_start3A_193 = tpu.memref_squeeze %dma_start3A_192 : memref<1x!tpu.dma_semaphore, #tpu.memory_space<semaphore_mem>> -> memref<!tpu.dma_semaphore, #tpu.memory_space<semaphore_mem>>
    tpu.enqueue_indirect_dma source(%dma_start3A_191 : memref<1000001x64xf32, #tpu.memory_space<hbm>>) target(%dma_start3A_185 : memref<50x64xf32, #tpu.memory_space<vmem>>) offsets(%dma_start3A_188 : memref<50xi32, #tpu.memory_space<vmem>>) semaphore(%dma_start3A_193 : memref<!tpu.dma_semaphore, #tpu.memory_space<semaphore_mem>>)
    %dma_start3A_194 = arith.constant 12 : i32
    %dma_start3A_195 = arith.constant 1 : i32
    %dma_start3A_196 = arith.constant 4 : i32
    %dma_start3A_197 = arith.constant 1 : i32
    %dma_start3A_198 = arith.constant 0 : i32
    %dma_start3A_199 = arith.constant 0 : i32
    %dma_start3A_200 = tpu.memref_slice %arg6[%dma_start3A_195, %dma_start3A_196, %dma_start3A_198, %dma_start3A_199] : memref<2x8x50x64xf32, #tpu.memory_space<vmem>> -> memref<1x1x50x64xf32, #tpu.memory_space<vmem>>
    %dma_start3A_201 = tpu.memref_squeeze %dma_start3A_200 : memref<1x1x50x64xf32, #tpu.memory_space<vmem>> -> memref<50x64xf32, #tpu.memory_space<vmem>>
    %dma_start3A_202 = arith.constant 0 : i32
    %dma_start3A_203 = tpu.memref_slice %arg5[%dma_start3A_194, %dma_start3A_202] : memref<512x50xi32, #tpu.memory_space<vmem>> -> memref<1x50xi32, #tpu.memory_space<vmem>>
    %dma_start3A_204 = tpu.memref_squeeze %dma_start3A_203 : memref<1x50xi32, #tpu.memory_space<vmem>> -> memref<50xi32, #tpu.memory_space<vmem>>
    %dma_start3A_205 = arith.constant 0 : i32
    %dma_start3A_206 = arith.constant 0 : i32
    %dma_start3A_207 = tpu.memref_slice %arg3[%dma_start3A_205, %dma_start3A_206] : memref<1000001x64xf32, #tpu.memory_space<hbm>> -> memref<1000001x64xf32, #tpu.memory_space<hbm>>
    %dma_start3A_208 = tpu.memref_slice %arg7[%dma_start3A_197] : memref<2x!tpu.dma_semaphore, #tpu.memory_space<semaphore_mem>> -> memref<1x!tpu.dma_semaphore, #tpu.memory_space<semaphore_mem>>
    %dma_start3A_209 = tpu.memref_squeeze %dma_start3A_208 : memref<1x!tpu.dma_semaphore, #tpu.memory_space<semaphore_mem>> -> memref<!tpu.dma_semaphore, #tpu.memory_space<semaphore_mem>>
    tpu.enqueue_indirect_dma source(%dma_start3A_207 : memref<1000001x64xf32, #tpu.memory_space<hbm>>) target(%dma_start3A_201 : memref<50x64xf32, #tpu.memory_space<vmem>>) offsets(%dma_start3A_204 : memref<50xi32, #tpu.memory_space<vmem>>) semaphore(%dma_start3A_209 : memref<!tpu.dma_semaphore, #tpu.memory_space<semaphore_mem>>)
    %dma_start3A_210 = arith.constant 13 : i32
    %dma_start3A_211 = arith.constant 1 : i32
    %dma_start3A_212 = arith.constant 5 : i32
    %dma_start3A_213 = arith.constant 1 : i32
    %dma_start3A_214 = arith.constant 0 : i32
    %dma_start3A_215 = arith.constant 0 : i32
    %dma_start3A_216 = tpu.memref_slice %arg6[%dma_start3A_211, %dma_start3A_212, %dma_start3A_214, %dma_start3A_215] : memref<2x8x50x64xf32, #tpu.memory_space<vmem>> -> memref<1x1x50x64xf32, #tpu.memory_space<vmem>>
    %dma_start3A_217 = tpu.memref_squeeze %dma_start3A_216 : memref<1x1x50x64xf32, #tpu.memory_space<vmem>> -> memref<50x64xf32, #tpu.memory_space<vmem>>
    %dma_start3A_218 = arith.constant 0 : i32
    %dma_start3A_219 = tpu.memref_slice %arg5[%dma_start3A_210, %dma_start3A_218] : memref<512x50xi32, #tpu.memory_space<vmem>> -> memref<1x50xi32, #tpu.memory_space<vmem>>
    %dma_start3A_220 = tpu.memref_squeeze %dma_start3A_219 : memref<1x50xi32, #tpu.memory_space<vmem>> -> memref<50xi32, #tpu.memory_space<vmem>>
    %dma_start3A_221 = arith.constant 0 : i32
    %dma_start3A_222 = arith.constant 0 : i32
    %dma_start3A_223 = tpu.memref_slice %arg3[%dma_start3A_221, %dma_start3A_222] : memref<1000001x64xf32, #tpu.memory_space<hbm>> -> memref<1000001x64xf32, #tpu.memory_space<hbm>>
    %dma_start3A_224 = tpu.memref_slice %arg7[%dma_start3A_213] : memref<2x!tpu.dma_semaphore, #tpu.memory_space<semaphore_mem>> -> memref<1x!tpu.dma_semaphore, #tpu.memory_space<semaphore_mem>>
    %dma_start3A_225 = tpu.memref_squeeze %dma_start3A_224 : memref<1x!tpu.dma_semaphore, #tpu.memory_space<semaphore_mem>> -> memref<!tpu.dma_semaphore, #tpu.memory_space<semaphore_mem>>
    tpu.enqueue_indirect_dma source(%dma_start3A_223 : memref<1000001x64xf32, #tpu.memory_space<hbm>>) target(%dma_start3A_217 : memref<50x64xf32, #tpu.memory_space<vmem>>) offsets(%dma_start3A_220 : memref<50xi32, #tpu.memory_space<vmem>>) semaphore(%dma_start3A_225 : memref<!tpu.dma_semaphore, #tpu.memory_space<semaphore_mem>>)
    %dma_start3A_226 = arith.constant 14 : i32
    %dma_start3A_227 = arith.constant 1 : i32
    %dma_start3A_228 = arith.constant 6 : i32
    %dma_start3A_229 = arith.constant 1 : i32
    %dma_start3A_230 = arith.constant 0 : i32
    %dma_start3A_231 = arith.constant 0 : i32
    %dma_start3A_232 = tpu.memref_slice %arg6[%dma_start3A_227, %dma_start3A_228, %dma_start3A_230, %dma_start3A_231] : memref<2x8x50x64xf32, #tpu.memory_space<vmem>> -> memref<1x1x50x64xf32, #tpu.memory_space<vmem>>
    %dma_start3A_233 = tpu.memref_squeeze %dma_start3A_232 : memref<1x1x50x64xf32, #tpu.memory_space<vmem>> -> memref<50x64xf32, #tpu.memory_space<vmem>>
    %dma_start3A_234 = arith.constant 0 : i32
    %dma_start3A_235 = tpu.memref_slice %arg5[%dma_start3A_226, %dma_start3A_234] : memref<512x50xi32, #tpu.memory_space<vmem>> -> memref<1x50xi32, #tpu.memory_space<vmem>>
    %dma_start3A_236 = tpu.memref_squeeze %dma_start3A_235 : memref<1x50xi32, #tpu.memory_space<vmem>> -> memref<50xi32, #tpu.memory_space<vmem>>
    %dma_start3A_237 = arith.constant 0 : i32
    %dma_start3A_238 = arith.constant 0 : i32
    %dma_start3A_239 = tpu.memref_slice %arg3[%dma_start3A_237, %dma_start3A_238] : memref<1000001x64xf32, #tpu.memory_space<hbm>> -> memref<1000001x64xf32, #tpu.memory_space<hbm>>
    %dma_start3A_240 = tpu.memref_slice %arg7[%dma_start3A_229] : memref<2x!tpu.dma_semaphore, #tpu.memory_space<semaphore_mem>> -> memref<1x!tpu.dma_semaphore, #tpu.memory_space<semaphore_mem>>
    %dma_start3A_241 = tpu.memref_squeeze %dma_start3A_240 : memref<1x!tpu.dma_semaphore, #tpu.memory_space<semaphore_mem>> -> memref<!tpu.dma_semaphore, #tpu.memory_space<semaphore_mem>>
    tpu.enqueue_indirect_dma source(%dma_start3A_239 : memref<1000001x64xf32, #tpu.memory_space<hbm>>) target(%dma_start3A_233 : memref<50x64xf32, #tpu.memory_space<vmem>>) offsets(%dma_start3A_236 : memref<50xi32, #tpu.memory_space<vmem>>) semaphore(%dma_start3A_241 : memref<!tpu.dma_semaphore, #tpu.memory_space<semaphore_mem>>)
    %dma_start3A_242 = arith.constant 15 : i32
    %dma_start3A_243 = arith.constant 1 : i32
    %dma_start3A_244 = arith.constant 7 : i32
    %dma_start3A_245 = arith.constant 1 : i32
    %dma_start3A_246 = arith.constant 0 : i32
    %dma_start3A_247 = arith.constant 0 : i32
    %dma_start3A_248 = tpu.memref_slice %arg6[%dma_start3A_243, %dma_start3A_244, %dma_start3A_246, %dma_start3A_247] : memref<2x8x50x64xf32, #tpu.memory_space<vmem>> -> memref<1x1x50x64xf32, #tpu.memory_space<vmem>>
    %dma_start3A_249 = tpu.memref_squeeze %dma_start3A_248 : memref<1x1x50x64xf32, #tpu.memory_space<vmem>> -> memref<50x64xf32, #tpu.memory_space<vmem>>
    %dma_start3A_250 = arith.constant 0 : i32
    %dma_start3A_251 = tpu.memref_slice %arg5[%dma_start3A_242, %dma_start3A_250] : memref<512x50xi32, #tpu.memory_space<vmem>> -> memref<1x50xi32, #tpu.memory_space<vmem>>
    %dma_start3A_252 = tpu.memref_squeeze %dma_start3A_251 : memref<1x50xi32, #tpu.memory_space<vmem>> -> memref<50xi32, #tpu.memory_space<vmem>>
    %dma_start3A_253 = arith.constant 0 : i32
    %dma_start3A_254 = arith.constant 0 : i32
    %dma_start3A_255 = tpu.memref_slice %arg3[%dma_start3A_253, %dma_start3A_254] : memref<1000001x64xf32, #tpu.memory_space<hbm>> -> memref<1000001x64xf32, #tpu.memory_space<hbm>>
    %dma_start3A_256 = tpu.memref_slice %arg7[%dma_start3A_245] : memref<2x!tpu.dma_semaphore, #tpu.memory_space<semaphore_mem>> -> memref<1x!tpu.dma_semaphore, #tpu.memory_space<semaphore_mem>>
    %dma_start3A_257 = tpu.memref_squeeze %dma_start3A_256 : memref<1x!tpu.dma_semaphore, #tpu.memory_space<semaphore_mem>> -> memref<!tpu.dma_semaphore, #tpu.memory_space<semaphore_mem>>
    tpu.enqueue_indirect_dma source(%dma_start3A_255 : memref<1000001x64xf32, #tpu.memory_space<hbm>>) target(%dma_start3A_249 : memref<50x64xf32, #tpu.memory_space<vmem>>) offsets(%dma_start3A_252 : memref<50xi32, #tpu.memory_space<vmem>>) semaphore(%dma_start3A_257 : memref<!tpu.dma_semaphore, #tpu.memory_space<semaphore_mem>>)
    %scan3A = arith.constant 0 : i32
    %scan3A_258 = arith.constant 0 : i32
    %scan3A_259 = arith.constant 31 : i32
    %scan3A_260 = arith.addi %scan3A_258, %scan3A_259 : i32
    %scan3A_261 = arith.constant 1 : i32
    scf.for %scan3A_386 = %scan3A_258 to %scan3A_260 step %scan3A_261  : i32 {
      %mul3A_387 = arith.constant 2 : i32
      %mul3A_388 = arith.muli %scan3A_386, %mul3A_387 : i32
      %add3A_389 = arith.constant 0 : i32
      %add3A_390 = arith.addi %mul3A_388, %add3A_389 : i32
      %dma_wait3A_391 = arith.constant 0 : i32
      %dma_wait3A_392 = arith.constant 0 : i32
      %dma_wait3A_393 = arith.constant 0 : i32
      %dma_wait3A_394 = arith.constant 0 : i32
      %dma_wait3A_395 = arith.constant 0 : i32
      %dma_wait3A_396 = tpu.memref_slice %arg6[%dma_wait3A_391, %dma_wait3A_393, %dma_wait3A_394, %dma_wait3A_395] : memref<2x8x50x64xf32, #tpu.memory_space<vmem>> -> memref<1x8x50x64xf32, #tpu.memory_space<vmem>>
      %dma_wait3A_397 = tpu.memref_squeeze %dma_wait3A_396 : memref<1x8x50x64xf32, #tpu.memory_space<vmem>> -> memref<8x50x64xf32, #tpu.memory_space<vmem>>
      %dma_wait3A_398 = arith.constant 0 : i32
      %dma_wait3A_399 = arith.constant 0 : i32
      %dma_wait3A_400 = tpu.memref_slice %arg4[%mul3A_2, %dma_wait3A_398, %dma_wait3A_399] : memref<16384x50x64xf32, #tpu.memory_space<hbm>> -> memref<8x50x64xf32, #tpu.memory_space<hbm>>
      %dma_wait3A_401 = tpu.memref_slice %arg7[%dma_wait3A_392] : memref<2x!tpu.dma_semaphore, #tpu.memory_space<semaphore_mem>> -> memref<1x!tpu.dma_semaphore, #tpu.memory_space<semaphore_mem>>
      %dma_wait3A_402 = tpu.memref_squeeze %dma_wait3A_401 : memref<1x!tpu.dma_semaphore, #tpu.memory_space<semaphore_mem>> -> memref<!tpu.dma_semaphore, #tpu.memory_space<semaphore_mem>>
      %dma_wait3A_403 = arith.constant 0 : i32
      %dma_wait3A_404 = arith.constant 0 : i32
      %dma_wait3A_405 = arith.constant 0 : i32
      %dma_wait3A_406 = tpu.memref_slice %arg6[%dma_wait3A_391, %dma_wait3A_403, %dma_wait3A_404, %dma_wait3A_405] : memref<2x8x50x64xf32, #tpu.memory_space<vmem>> -> memref<1x8x50x64xf32, #tpu.memory_space<vmem>>
      %dma_wait3A_407 = tpu.memref_squeeze %dma_wait3A_406 : memref<1x8x50x64xf32, #tpu.memory_space<vmem>> -> memref<8x50x64xf32, #tpu.memory_space<vmem>>
      %dma_wait3A_408 = arith.constant 0 : i32
      %dma_wait3A_409 = arith.constant 0 : i32
      %dma_wait3A_410 = tpu.memref_slice %arg4[%mul3A_2, %dma_wait3A_408, %dma_wait3A_409] : memref<16384x50x64xf32, #tpu.memory_space<hbm>> -> memref<8x50x64xf32, #tpu.memory_space<hbm>>
      tpu.wait_dma2 semaphore(%dma_wait3A_402 : memref<!tpu.dma_semaphore, #tpu.memory_space<semaphore_mem>>) src(%dma_wait3A_410 : memref<8x50x64xf32, #tpu.memory_space<hbm>>) dst(%dma_wait3A_407 : memref<8x50x64xf32, #tpu.memory_space<vmem>>)
      %mul3A_411 = arith.constant 8 : i32
      %mul3A_412 = arith.muli %add3A_390, %mul3A_411 : i32
      %add3A_413 = arith.addi %mul3A_2, %mul3A_412 : i32
      %dma_start3A_414 = arith.constant 0 : i32
      %dma_start3A_415 = arith.constant 0 : i32
      %dma_start3A_416 = arith.constant 0 : i32
      %dma_start3A_417 = arith.constant 0 : i32
      %dma_start3A_418 = arith.constant 0 : i32
      %dma_start3A_419 = tpu.memref_slice %arg6[%dma_start3A_414, %dma_start3A_416, %dma_start3A_417, %dma_start3A_418] : memref<2x8x50x64xf32, #tpu.memory_space<vmem>> -> memref<1x8x50x64xf32, #tpu.memory_space<vmem>>
      %dma_start3A_420 = tpu.memref_squeeze %dma_start3A_419 : memref<1x8x50x64xf32, #tpu.memory_space<vmem>> -> memref<8x50x64xf32, #tpu.memory_space<vmem>>
      %dma_start3A_421 = arith.constant 0 : i32
      %dma_start3A_422 = arith.constant 0 : i32
      %dma_start3A_423 = tpu.memref_slice %arg4[%add3A_413, %dma_start3A_421, %dma_start3A_422] : memref<16384x50x64xf32, #tpu.memory_space<hbm>> -> memref<8x50x64xf32, #tpu.memory_space<hbm>>
      %dma_start3A_424 = tpu.memref_slice %arg8[%dma_start3A_415] : memref<2x!tpu.dma_semaphore, #tpu.memory_space<semaphore_mem>> -> memref<1x!tpu.dma_semaphore, #tpu.memory_space<semaphore_mem>>
      %dma_start3A_425 = tpu.memref_squeeze %dma_start3A_424 : memref<1x!tpu.dma_semaphore, #tpu.memory_space<semaphore_mem>> -> memref<!tpu.dma_semaphore, #tpu.memory_space<semaphore_mem>>
      %dma_start3A_426 = arith.constant 0 : i32
      %dma_start3A_427 = arith.constant 0 : i32
      %dma_start3A_428 = tpu.memref_slice %arg4[%add3A_413, %dma_start3A_426, %dma_start3A_427] : memref<16384x50x64xf32, #tpu.memory_space<hbm>> -> memref<8x50x64xf32, #tpu.memory_space<hbm>>
      %dma_start3A_429 = arith.constant 0 : i32
      %dma_start3A_430 = arith.constant 0 : i32
      %dma_start3A_431 = arith.constant 0 : i32
      %dma_start3A_432 = tpu.memref_slice %arg6[%dma_start3A_414, %dma_start3A_429, %dma_start3A_430, %dma_start3A_431] : memref<2x8x50x64xf32, #tpu.memory_space<vmem>> -> memref<1x8x50x64xf32, #tpu.memory_space<vmem>>
      %dma_start3A_433 = tpu.memref_squeeze %dma_start3A_432 : memref<1x8x50x64xf32, #tpu.memory_space<vmem>> -> memref<8x50x64xf32, #tpu.memory_space<vmem>>
      tpu.enqueue_dma source(%dma_start3A_433 : memref<8x50x64xf32, #tpu.memory_space<vmem>>) target(%dma_start3A_428 : memref<8x50x64xf32, #tpu.memory_space<hbm>>) target_semaphore(%dma_start3A_425 : memref<!tpu.dma_semaphore, #tpu.memory_space<semaphore_mem>>)
      %dma_wait3A_434 = arith.constant 0 : i32
      %dma_wait3A_435 = arith.constant 0 : i32
      %dma_wait3A_436 = arith.constant 0 : i32
      %dma_wait3A_437 = arith.constant 0 : i32
      %dma_wait3A_438 = arith.constant 0 : i32
      %dma_wait3A_439 = tpu.memref_slice %arg6[%dma_wait3A_434, %dma_wait3A_436, %dma_wait3A_437, %dma_wait3A_438] : memref<2x8x50x64xf32, #tpu.memory_space<vmem>> -> memref<1x8x50x64xf32, #tpu.memory_space<vmem>>
      %dma_wait3A_440 = tpu.memref_squeeze %dma_wait3A_439 : memref<1x8x50x64xf32, #tpu.memory_space<vmem>> -> memref<8x50x64xf32, #tpu.memory_space<vmem>>
      %dma_wait3A_441 = arith.constant 0 : i32
      %dma_wait3A_442 = arith.constant 0 : i32
      %dma_wait3A_443 = tpu.memref_slice %arg4[%mul3A_2, %dma_wait3A_441, %dma_wait3A_442] : memref<16384x50x64xf32, #tpu.memory_space<hbm>> -> memref<8x50x64xf32, #tpu.memory_space<hbm>>
      %dma_wait3A_444 = tpu.memref_slice %arg8[%dma_wait3A_435] : memref<2x!tpu.dma_semaphore, #tpu.memory_space<semaphore_mem>> -> memref<1x!tpu.dma_semaphore, #tpu.memory_space<semaphore_mem>>
      %dma_wait3A_445 = tpu.memref_squeeze %dma_wait3A_444 : memref<1x!tpu.dma_semaphore, #tpu.memory_space<semaphore_mem>> -> memref<!tpu.dma_semaphore, #tpu.memory_space<semaphore_mem>>
      %dma_wait3A_446 = arith.constant 0 : i32
      %dma_wait3A_447 = arith.constant 0 : i32
      %dma_wait3A_448 = tpu.memref_slice %arg4[%mul3A_2, %dma_wait3A_446, %dma_wait3A_447] : memref<16384x50x64xf32, #tpu.memory_space<hbm>> -> memref<8x50x64xf32, #tpu.memory_space<hbm>>
      %dma_wait3A_449 = arith.constant 0 : i32
      %dma_wait3A_450 = arith.constant 0 : i32
      %dma_wait3A_451 = arith.constant 0 : i32
      %dma_wait3A_452 = tpu.memref_slice %arg6[%dma_wait3A_434, %dma_wait3A_449, %dma_wait3A_450, %dma_wait3A_451] : memref<2x8x50x64xf32, #tpu.memory_space<vmem>> -> memref<1x8x50x64xf32, #tpu.memory_space<vmem>>
      %dma_wait3A_453 = tpu.memref_squeeze %dma_wait3A_452 : memref<1x8x50x64xf32, #tpu.memory_space<vmem>> -> memref<8x50x64xf32, #tpu.memory_space<vmem>>
      tpu.wait_dma2 semaphore(%dma_wait3A_445 : memref<!tpu.dma_semaphore, #tpu.memory_space<semaphore_mem>>) src(%dma_wait3A_453 : memref<8x50x64xf32, #tpu.memory_space<vmem>>) dst(%dma_wait3A_448 : memref<8x50x64xf32, #tpu.memory_space<hbm>>)
      %add3A_454 = arith.constant 2 : i32
      %add3A_455 = arith.addi %add3A_390, %add3A_454 : i32
      %mul3A_456 = arith.constant 8 : i32
      %mul3A_457 = arith.muli %add3A_455, %mul3A_456 : i32
      %add3A_458 = arith.constant 0 : i32
      %add3A_459 = arith.addi %mul3A_457, %add3A_458 : i32
      %dma_start3A_460 = arith.constant 0 : i32
      %dma_start3A_461 = arith.constant 0 : i32
      %dma_start3A_462 = arith.constant 0 : i32
      %dma_start3A_463 = arith.constant 0 : i32
      %dma_start3A_464 = arith.constant 0 : i32
      %dma_start3A_465 = tpu.memref_slice %arg6[%dma_start3A_460, %dma_start3A_461, %dma_start3A_463, %dma_start3A_464] : memref<2x8x50x64xf32, #tpu.memory_space<vmem>> -> memref<1x1x50x64xf32, #tpu.memory_space<vmem>>
      %dma_start3A_466 = tpu.memref_squeeze %dma_start3A_465 : memref<1x1x50x64xf32, #tpu.memory_space<vmem>> -> memref<50x64xf32, #tpu.memory_space<vmem>>
      %dma_start3A_467 = arith.constant 0 : i32
      %dma_start3A_468 = tpu.memref_slice %arg5[%add3A_459, %dma_start3A_467] : memref<512x50xi32, #tpu.memory_space<vmem>> -> memref<1x50xi32, #tpu.memory_space<vmem>>
      %dma_start3A_469 = tpu.memref_squeeze %dma_start3A_468 : memref<1x50xi32, #tpu.memory_space<vmem>> -> memref<50xi32, #tpu.memory_space<vmem>>
      %dma_start3A_470 = arith.constant 0 : i32
      %dma_start3A_471 = arith.constant 0 : i32
      %dma_start3A_472 = tpu.memref_slice %arg3[%dma_start3A_470, %dma_start3A_471] : memref<1000001x64xf32, #tpu.memory_space<hbm>> -> memref<1000001x64xf32, #tpu.memory_space<hbm>>
      %dma_start3A_473 = tpu.memref_slice %arg7[%dma_start3A_462] : memref<2x!tpu.dma_semaphore, #tpu.memory_space<semaphore_mem>> -> memref<1x!tpu.dma_semaphore, #tpu.memory_space<semaphore_mem>>
      %dma_start3A_474 = tpu.memref_squeeze %dma_start3A_473 : memref<1x!tpu.dma_semaphore, #tpu.memory_space<semaphore_mem>> -> memref<!tpu.dma_semaphore, #tpu.memory_space<semaphore_mem>>
      tpu.enqueue_indirect_dma source(%dma_start3A_472 : memref<1000001x64xf32, #tpu.memory_space<hbm>>) target(%dma_start3A_466 : memref<50x64xf32, #tpu.memory_space<vmem>>) offsets(%dma_start3A_469 : memref<50xi32, #tpu.memory_space<vmem>>) semaphore(%dma_start3A_474 : memref<!tpu.dma_semaphore, #tpu.memory_space<semaphore_mem>>)
      %mul3A_475 = arith.constant 8 : i32
      %mul3A_476 = arith.muli %add3A_455, %mul3A_475 : i32
      %add3A_477 = arith.constant 1 : i32
      %add3A_478 = arith.addi %mul3A_476, %add3A_477 : i32
      %dma_start3A_479 = arith.constant 0 : i32
      %dma_start3A_480 = arith.constant 1 : i32
      %dma_start3A_481 = arith.constant 0 : i32
      %dma_start3A_482 = arith.constant 0 : i32
      %dma_start3A_483 = arith.constant 0 : i32
      %dma_start3A_484 = tpu.memref_slice %arg6[%dma_start3A_479, %dma_start3A_480, %dma_start3A_482, %dma_start3A_483] : memref<2x8x50x64xf32, #tpu.memory_space<vmem>> -> memref<1x1x50x64xf32, #tpu.memory_space<vmem>>
      %dma_start3A_485 = tpu.memref_squeeze %dma_start3A_484 : memref<1x1x50x64xf32, #tpu.memory_space<vmem>> -> memref<50x64xf32, #tpu.memory_space<vmem>>
      %dma_start3A_486 = arith.constant 0 : i32
      %dma_start3A_487 = tpu.memref_slice %arg5[%add3A_478, %dma_start3A_486] : memref<512x50xi32, #tpu.memory_space<vmem>> -> memref<1x50xi32, #tpu.memory_space<vmem>>
      %dma_start3A_488 = tpu.memref_squeeze %dma_start3A_487 : memref<1x50xi32, #tpu.memory_space<vmem>> -> memref<50xi32, #tpu.memory_space<vmem>>
      %dma_start3A_489 = arith.constant 0 : i32
      %dma_start3A_490 = arith.constant 0 : i32
      %dma_start3A_491 = tpu.memref_slice %arg3[%dma_start3A_489, %dma_start3A_490] : memref<1000001x64xf32, #tpu.memory_space<hbm>> -> memref<1000001x64xf32, #tpu.memory_space<hbm>>
      %dma_start3A_492 = tpu.memref_slice %arg7[%dma_start3A_481] : memref<2x!tpu.dma_semaphore, #tpu.memory_space<semaphore_mem>> -> memref<1x!tpu.dma_semaphore, #tpu.memory_space<semaphore_mem>>
      %dma_start3A_493 = tpu.memref_squeeze %dma_start3A_492 : memref<1x!tpu.dma_semaphore, #tpu.memory_space<semaphore_mem>> -> memref<!tpu.dma_semaphore, #tpu.memory_space<semaphore_mem>>
      tpu.enqueue_indirect_dma source(%dma_start3A_491 : memref<1000001x64xf32, #tpu.memory_space<hbm>>) target(%dma_start3A_485 : memref<50x64xf32, #tpu.memory_space<vmem>>) offsets(%dma_start3A_488 : memref<50xi32, #tpu.memory_space<vmem>>) semaphore(%dma_start3A_493 : memref<!tpu.dma_semaphore, #tpu.memory_space<semaphore_mem>>)
      %mul3A_494 = arith.constant 8 : i32
      %mul3A_495 = arith.muli %add3A_455, %mul3A_494 : i32
      %add3A_496 = arith.constant 2 : i32
      %add3A_497 = arith.addi %mul3A_495, %add3A_496 : i32
      %dma_start3A_498 = arith.constant 0 : i32
      %dma_start3A_499 = arith.constant 2 : i32
      %dma_start3A_500 = arith.constant 0 : i32
      %dma_start3A_501 = arith.constant 0 : i32
      %dma_start3A_502 = arith.constant 0 : i32
      %dma_start3A_503 = tpu.memref_slice %arg6[%dma_start3A_498, %dma_start3A_499, %dma_start3A_501, %dma_start3A_502] : memref<2x8x50x64xf32, #tpu.memory_space<vmem>> -> memref<1x1x50x64xf32, #tpu.memory_space<vmem>>
      %dma_start3A_504 = tpu.memref_squeeze %dma_start3A_503 : memref<1x1x50x64xf32, #tpu.memory_space<vmem>> -> memref<50x64xf32, #tpu.memory_space<vmem>>
      %dma_start3A_505 = arith.constant 0 : i32
      %dma_start3A_506 = tpu.memref_slice %arg5[%add3A_497, %dma_start3A_505] : memref<512x50xi32, #tpu.memory_space<vmem>> -> memref<1x50xi32, #tpu.memory_space<vmem>>
      %dma_start3A_507 = tpu.memref_squeeze %dma_start3A_506 : memref<1x50xi32, #tpu.memory_space<vmem>> -> memref<50xi32, #tpu.memory_space<vmem>>
      %dma_start3A_508 = arith.constant 0 : i32
      %dma_start3A_509 = arith.constant 0 : i32
      %dma_start3A_510 = tpu.memref_slice %arg3[%dma_start3A_508, %dma_start3A_509] : memref<1000001x64xf32, #tpu.memory_space<hbm>> -> memref<1000001x64xf32, #tpu.memory_space<hbm>>
      %dma_start3A_511 = tpu.memref_slice %arg7[%dma_start3A_500] : memref<2x!tpu.dma_semaphore, #tpu.memory_space<semaphore_mem>> -> memref<1x!tpu.dma_semaphore, #tpu.memory_space<semaphore_mem>>
      %dma_start3A_512 = tpu.memref_squeeze %dma_start3A_511 : memref<1x!tpu.dma_semaphore, #tpu.memory_space<semaphore_mem>> -> memref<!tpu.dma_semaphore, #tpu.memory_space<semaphore_mem>>
      tpu.enqueue_indirect_dma source(%dma_start3A_510 : memref<1000001x64xf32, #tpu.memory_space<hbm>>) target(%dma_start3A_504 : memref<50x64xf32, #tpu.memory_space<vmem>>) offsets(%dma_start3A_507 : memref<50xi32, #tpu.memory_space<vmem>>) semaphore(%dma_start3A_512 : memref<!tpu.dma_semaphore, #tpu.memory_space<semaphore_mem>>)
      %mul3A_513 = arith.constant 8 : i32
      %mul3A_514 = arith.muli %add3A_455, %mul3A_513 : i32
      %add3A_515 = arith.constant 3 : i32
      %add3A_516 = arith.addi %mul3A_514, %add3A_515 : i32
      %dma_start3A_517 = arith.constant 0 : i32
      %dma_start3A_518 = arith.constant 3 : i32
      %dma_start3A_519 = arith.constant 0 : i32
      %dma_start3A_520 = arith.constant 0 : i32
      %dma_start3A_521 = arith.constant 0 : i32
      %dma_start3A_522 = tpu.memref_slice %arg6[%dma_start3A_517, %dma_start3A_518, %dma_start3A_520, %dma_start3A_521] : memref<2x8x50x64xf32, #tpu.memory_space<vmem>> -> memref<1x1x50x64xf32, #tpu.memory_space<vmem>>
      %dma_start3A_523 = tpu.memref_squeeze %dma_start3A_522 : memref<1x1x50x64xf32, #tpu.memory_space<vmem>> -> memref<50x64xf32, #tpu.memory_space<vmem>>
      %dma_start3A_524 = arith.constant 0 : i32
      %dma_start3A_525 = tpu.memref_slice %arg5[%add3A_516, %dma_start3A_524] : memref<512x50xi32, #tpu.memory_space<vmem>> -> memref<1x50xi32, #tpu.memory_space<vmem>>
      %dma_start3A_526 = tpu.memref_squeeze %dma_start3A_525 : memref<1x50xi32, #tpu.memory_space<vmem>> -> memref<50xi32, #tpu.memory_space<vmem>>
      %dma_start3A_527 = arith.constant 0 : i32
      %dma_start3A_528 = arith.constant 0 : i32
      %dma_start3A_529 = tpu.memref_slice %arg3[%dma_start3A_527, %dma_start3A_528] : memref<1000001x64xf32, #tpu.memory_space<hbm>> -> memref<1000001x64xf32, #tpu.memory_space<hbm>>
      %dma_start3A_530 = tpu.memref_slice %arg7[%dma_start3A_519] : memref<2x!tpu.dma_semaphore, #tpu.memory_space<semaphore_mem>> -> memref<1x!tpu.dma_semaphore, #tpu.memory_space<semaphore_mem>>
      %dma_start3A_531 = tpu.memref_squeeze %dma_start3A_530 : memref<1x!tpu.dma_semaphore, #tpu.memory_space<semaphore_mem>> -> memref<!tpu.dma_semaphore, #tpu.memory_space<semaphore_mem>>
      tpu.enqueue_indirect_dma source(%dma_start3A_529 : memref<1000001x64xf32, #tpu.memory_space<hbm>>) target(%dma_start3A_523 : memref<50x64xf32, #tpu.memory_space<vmem>>) offsets(%dma_start3A_526 : memref<50xi32, #tpu.memory_space<vmem>>) semaphore(%dma_start3A_531 : memref<!tpu.dma_semaphore, #tpu.memory_space<semaphore_mem>>)
      %mul3A_532 = arith.constant 8 : i32
      %mul3A_533 = arith.muli %add3A_455, %mul3A_532 : i32
      %add3A_534 = arith.constant 4 : i32
      %add3A_535 = arith.addi %mul3A_533, %add3A_534 : i32
      %dma_start3A_536 = arith.constant 0 : i32
      %dma_start3A_537 = arith.constant 4 : i32
      %dma_start3A_538 = arith.constant 0 : i32
      %dma_start3A_539 = arith.constant 0 : i32
      %dma_start3A_540 = arith.constant 0 : i32
      %dma_start3A_541 = tpu.memref_slice %arg6[%dma_start3A_536, %dma_start3A_537, %dma_start3A_539, %dma_start3A_540] : memref<2x8x50x64xf32, #tpu.memory_space<vmem>> -> memref<1x1x50x64xf32, #tpu.memory_space<vmem>>
      %dma_start3A_542 = tpu.memref_squeeze %dma_start3A_541 : memref<1x1x50x64xf32, #tpu.memory_space<vmem>> -> memref<50x64xf32, #tpu.memory_space<vmem>>
      %dma_start3A_543 = arith.constant 0 : i32
      %dma_start3A_544 = tpu.memref_slice %arg5[%add3A_535, %dma_start3A_543] : memref<512x50xi32, #tpu.memory_space<vmem>> -> memref<1x50xi32, #tpu.memory_space<vmem>>
      %dma_start3A_545 = tpu.memref_squeeze %dma_start3A_544 : memref<1x50xi32, #tpu.memory_space<vmem>> -> memref<50xi32, #tpu.memory_space<vmem>>
      %dma_start3A_546 = arith.constant 0 : i32
      %dma_start3A_547 = arith.constant 0 : i32
      %dma_start3A_548 = tpu.memref_slice %arg3[%dma_start3A_546, %dma_start3A_547] : memref<1000001x64xf32, #tpu.memory_space<hbm>> -> memref<1000001x64xf32, #tpu.memory_space<hbm>>
      %dma_start3A_549 = tpu.memref_slice %arg7[%dma_start3A_538] : memref<2x!tpu.dma_semaphore, #tpu.memory_space<semaphore_mem>> -> memref<1x!tpu.dma_semaphore, #tpu.memory_space<semaphore_mem>>
      %dma_start3A_550 = tpu.memref_squeeze %dma_start3A_549 : memref<1x!tpu.dma_semaphore, #tpu.memory_space<semaphore_mem>> -> memref<!tpu.dma_semaphore, #tpu.memory_space<semaphore_mem>>
      tpu.enqueue_indirect_dma source(%dma_start3A_548 : memref<1000001x64xf32, #tpu.memory_space<hbm>>) target(%dma_start3A_542 : memref<50x64xf32, #tpu.memory_space<vmem>>) offsets(%dma_start3A_545 : memref<50xi32, #tpu.memory_space<vmem>>) semaphore(%dma_start3A_550 : memref<!tpu.dma_semaphore, #tpu.memory_space<semaphore_mem>>)
      %mul3A_551 = arith.constant 8 : i32
      %mul3A_552 = arith.muli %add3A_455, %mul3A_551 : i32
      %add3A_553 = arith.constant 5 : i32
      %add3A_554 = arith.addi %mul3A_552, %add3A_553 : i32
      %dma_start3A_555 = arith.constant 0 : i32
      %dma_start3A_556 = arith.constant 5 : i32
      %dma_start3A_557 = arith.constant 0 : i32
      %dma_start3A_558 = arith.constant 0 : i32
      %dma_start3A_559 = arith.constant 0 : i32
      %dma_start3A_560 = tpu.memref_slice %arg6[%dma_start3A_555, %dma_start3A_556, %dma_start3A_558, %dma_start3A_559] : memref<2x8x50x64xf32, #tpu.memory_space<vmem>> -> memref<1x1x50x64xf32, #tpu.memory_space<vmem>>
      %dma_start3A_561 = tpu.memref_squeeze %dma_start3A_560 : memref<1x1x50x64xf32, #tpu.memory_space<vmem>> -> memref<50x64xf32, #tpu.memory_space<vmem>>
      %dma_start3A_562 = arith.constant 0 : i32
      %dma_start3A_563 = tpu.memref_slice %arg5[%add3A_554, %dma_start3A_562] : memref<512x50xi32, #tpu.memory_space<vmem>> -> memref<1x50xi32, #tpu.memory_space<vmem>>
      %dma_start3A_564 = tpu.memref_squeeze %dma_start3A_563 : memref<1x50xi32, #tpu.memory_space<vmem>> -> memref<50xi32, #tpu.memory_space<vmem>>
      %dma_start3A_565 = arith.constant 0 : i32
      %dma_start3A_566 = arith.constant 0 : i32
      %dma_start3A_567 = tpu.memref_slice %arg3[%dma_start3A_565, %dma_start3A_566] : memref<1000001x64xf32, #tpu.memory_space<hbm>> -> memref<1000001x64xf32, #tpu.memory_space<hbm>>
      %dma_start3A_568 = tpu.memref_slice %arg7[%dma_start3A_557] : memref<2x!tpu.dma_semaphore, #tpu.memory_space<semaphore_mem>> -> memref<1x!tpu.dma_semaphore, #tpu.memory_space<semaphore_mem>>
      %dma_start3A_569 = tpu.memref_squeeze %dma_start3A_568 : memref<1x!tpu.dma_semaphore, #tpu.memory_space<semaphore_mem>> -> memref<!tpu.dma_semaphore, #tpu.memory_space<semaphore_mem>>
      tpu.enqueue_indirect_dma source(%dma_start3A_567 : memref<1000001x64xf32, #tpu.memory_space<hbm>>) target(%dma_start3A_561 : memref<50x64xf32, #tpu.memory_space<vmem>>) offsets(%dma_start3A_564 : memref<50xi32, #tpu.memory_space<vmem>>) semaphore(%dma_start3A_569 : memref<!tpu.dma_semaphore, #tpu.memory_space<semaphore_mem>>)
      %mul3A_570 = arith.constant 8 : i32
      %mul3A_571 = arith.muli %add3A_455, %mul3A_570 : i32
      %add3A_572 = arith.constant 6 : i32
      %add3A_573 = arith.addi %mul3A_571, %add3A_572 : i32
      %dma_start3A_574 = arith.constant 0 : i32
      %dma_start3A_575 = arith.constant 6 : i32
      %dma_start3A_576 = arith.constant 0 : i32
      %dma_start3A_577 = arith.constant 0 : i32
      %dma_start3A_578 = arith.constant 0 : i32
      %dma_start3A_579 = tpu.memref_slice %arg6[%dma_start3A_574, %dma_start3A_575, %dma_start3A_577, %dma_start3A_578] : memref<2x8x50x64xf32, #tpu.memory_space<vmem>> -> memref<1x1x50x64xf32, #tpu.memory_space<vmem>>
      %dma_start3A_580 = tpu.memref_squeeze %dma_start3A_579 : memref<1x1x50x64xf32, #tpu.memory_space<vmem>> -> memref<50x64xf32, #tpu.memory_space<vmem>>
      %dma_start3A_581 = arith.constant 0 : i32
      %dma_start3A_582 = tpu.memref_slice %arg5[%add3A_573, %dma_start3A_581] : memref<512x50xi32, #tpu.memory_space<vmem>> -> memref<1x50xi32, #tpu.memory_space<vmem>>
      %dma_start3A_583 = tpu.memref_squeeze %dma_start3A_582 : memref<1x50xi32, #tpu.memory_space<vmem>> -> memref<50xi32, #tpu.memory_space<vmem>>
      %dma_start3A_584 = arith.constant 0 : i32
      %dma_start3A_585 = arith.constant 0 : i32
      %dma_start3A_586 = tpu.memref_slice %arg3[%dma_start3A_584, %dma_start3A_585] : memref<1000001x64xf32, #tpu.memory_space<hbm>> -> memref<1000001x64xf32, #tpu.memory_space<hbm>>
      %dma_start3A_587 = tpu.memref_slice %arg7[%dma_start3A_576] : memref<2x!tpu.dma_semaphore, #tpu.memory_space<semaphore_mem>> -> memref<1x!tpu.dma_semaphore, #tpu.memory_space<semaphore_mem>>
      %dma_start3A_588 = tpu.memref_squeeze %dma_start3A_587 : memref<1x!tpu.dma_semaphore, #tpu.memory_space<semaphore_mem>> -> memref<!tpu.dma_semaphore, #tpu.memory_space<semaphore_mem>>
      tpu.enqueue_indirect_dma source(%dma_start3A_586 : memref<1000001x64xf32, #tpu.memory_space<hbm>>) target(%dma_start3A_580 : memref<50x64xf32, #tpu.memory_space<vmem>>) offsets(%dma_start3A_583 : memref<50xi32, #tpu.memory_space<vmem>>) semaphore(%dma_start3A_588 : memref<!tpu.dma_semaphore, #tpu.memory_space<semaphore_mem>>)
      %mul3A_589 = arith.constant 8 : i32
      %mul3A_590 = arith.muli %add3A_455, %mul3A_589 : i32
      %add3A_591 = arith.constant 7 : i32
      %add3A_592 = arith.addi %mul3A_590, %add3A_591 : i32
      %dma_start3A_593 = arith.constant 0 : i32
      %dma_start3A_594 = arith.constant 7 : i32
      %dma_start3A_595 = arith.constant 0 : i32
      %dma_start3A_596 = arith.constant 0 : i32
      %dma_start3A_597 = arith.constant 0 : i32
      %dma_start3A_598 = tpu.memref_slice %arg6[%dma_start3A_593, %dma_start3A_594, %dma_start3A_596, %dma_start3A_597] : memref<2x8x50x64xf32, #tpu.memory_space<vmem>> -> memref<1x1x50x64xf32, #tpu.memory_space<vmem>>
      %dma_start3A_599 = tpu.memref_squeeze %dma_start3A_598 : memref<1x1x50x64xf32, #tpu.memory_space<vmem>> -> memref<50x64xf32, #tpu.memory_space<vmem>>
      %dma_start3A_600 = arith.constant 0 : i32
      %dma_start3A_601 = tpu.memref_slice %arg5[%add3A_592, %dma_start3A_600] : memref<512x50xi32, #tpu.memory_space<vmem>> -> memref<1x50xi32, #tpu.memory_space<vmem>>
      %dma_start3A_602 = tpu.memref_squeeze %dma_start3A_601 : memref<1x50xi32, #tpu.memory_space<vmem>> -> memref<50xi32, #tpu.memory_space<vmem>>
      %dma_start3A_603 = arith.constant 0 : i32
      %dma_start3A_604 = arith.constant 0 : i32
      %dma_start3A_605 = tpu.memref_slice %arg3[%dma_start3A_603, %dma_start3A_604] : memref<1000001x64xf32, #tpu.memory_space<hbm>> -> memref<1000001x64xf32, #tpu.memory_space<hbm>>
      %dma_start3A_606 = tpu.memref_slice %arg7[%dma_start3A_595] : memref<2x!tpu.dma_semaphore, #tpu.memory_space<semaphore_mem>> -> memref<1x!tpu.dma_semaphore, #tpu.memory_space<semaphore_mem>>
      %dma_start3A_607 = tpu.memref_squeeze %dma_start3A_606 : memref<1x!tpu.dma_semaphore, #tpu.memory_space<semaphore_mem>> -> memref<!tpu.dma_semaphore, #tpu.memory_space<semaphore_mem>>
      tpu.enqueue_indirect_dma source(%dma_start3A_605 : memref<1000001x64xf32, #tpu.memory_space<hbm>>) target(%dma_start3A_599 : memref<50x64xf32, #tpu.memory_space<vmem>>) offsets(%dma_start3A_602 : memref<50xi32, #tpu.memory_space<vmem>>) semaphore(%dma_start3A_607 : memref<!tpu.dma_semaphore, #tpu.memory_space<semaphore_mem>>)
      %mul3A_608 = arith.constant 2 : i32
      %mul3A_609 = arith.muli %scan3A_386, %mul3A_608 : i32
      %add3A_610 = arith.constant 1 : i32
      %add3A_611 = arith.addi %mul3A_609, %add3A_610 : i32
      %dma_wait3A_612 = arith.constant 1 : i32
      %dma_wait3A_613 = arith.constant 1 : i32
      %dma_wait3A_614 = arith.constant 0 : i32
      %dma_wait3A_615 = arith.constant 0 : i32
      %dma_wait3A_616 = arith.constant 0 : i32
      %dma_wait3A_617 = tpu.memref_slice %arg6[%dma_wait3A_612, %dma_wait3A_614, %dma_wait3A_615, %dma_wait3A_616] : memref<2x8x50x64xf32, #tpu.memory_space<vmem>> -> memref<1x8x50x64xf32, #tpu.memory_space<vmem>>
      %dma_wait3A_618 = tpu.memref_squeeze %dma_wait3A_617 : memref<1x8x50x64xf32, #tpu.memory_space<vmem>> -> memref<8x50x64xf32, #tpu.memory_space<vmem>>
      %dma_wait3A_619 = arith.constant 0 : i32
      %dma_wait3A_620 = arith.constant 0 : i32
      %dma_wait3A_621 = tpu.memref_slice %arg4[%mul3A_2, %dma_wait3A_619, %dma_wait3A_620] : memref<16384x50x64xf32, #tpu.memory_space<hbm>> -> memref<8x50x64xf32, #tpu.memory_space<hbm>>
      %dma_wait3A_622 = tpu.memref_slice %arg7[%dma_wait3A_613] : memref<2x!tpu.dma_semaphore, #tpu.memory_space<semaphore_mem>> -> memref<1x!tpu.dma_semaphore, #tpu.memory_space<semaphore_mem>>
      %dma_wait3A_623 = tpu.memref_squeeze %dma_wait3A_622 : memref<1x!tpu.dma_semaphore, #tpu.memory_space<semaphore_mem>> -> memref<!tpu.dma_semaphore, #tpu.memory_space<semaphore_mem>>
      %dma_wait3A_624 = arith.constant 0 : i32
      %dma_wait3A_625 = arith.constant 0 : i32
      %dma_wait3A_626 = arith.constant 0 : i32
      %dma_wait3A_627 = tpu.memref_slice %arg6[%dma_wait3A_612, %dma_wait3A_624, %dma_wait3A_625, %dma_wait3A_626] : memref<2x8x50x64xf32, #tpu.memory_space<vmem>> -> memref<1x8x50x64xf32, #tpu.memory_space<vmem>>
      %dma_wait3A_628 = tpu.memref_squeeze %dma_wait3A_627 : memref<1x8x50x64xf32, #tpu.memory_space<vmem>> -> memref<8x50x64xf32, #tpu.memory_space<vmem>>
      %dma_wait3A_629 = arith.constant 0 : i32
      %dma_wait3A_630 = arith.constant 0 : i32
      %dma_wait3A_631 = tpu.memref_slice %arg4[%mul3A_2, %dma_wait3A_629, %dma_wait3A_630] : memref<16384x50x64xf32, #tpu.memory_space<hbm>> -> memref<8x50x64xf32, #tpu.memory_space<hbm>>
      tpu.wait_dma2 semaphore(%dma_wait3A_623 : memref<!tpu.dma_semaphore, #tpu.memory_space<semaphore_mem>>) src(%dma_wait3A_631 : memref<8x50x64xf32, #tpu.memory_space<hbm>>) dst(%dma_wait3A_628 : memref<8x50x64xf32, #tpu.memory_space<vmem>>)
      %mul3A_632 = arith.constant 8 : i32
      %mul3A_633 = arith.muli %add3A_611, %mul3A_632 : i32
      %add3A_634 = arith.addi %mul3A_2, %mul3A_633 : i32
      %dma_start3A_635 = arith.constant 1 : i32
      %dma_start3A_636 = arith.constant 1 : i32
      %dma_start3A_637 = arith.constant 0 : i32
      %dma_start3A_638 = arith.constant 0 : i32
      %dma_start3A_639 = arith.constant 0 : i32
      %dma_start3A_640 = tpu.memref_slice %arg6[%dma_start3A_635, %dma_start3A_637, %dma_start3A_638, %dma_start3A_639] : memref<2x8x50x64xf32, #tpu.memory_space<vmem>> -> memref<1x8x50x64xf32, #tpu.memory_space<vmem>>
      %dma_start3A_641 = tpu.memref_squeeze %dma_start3A_640 : memref<1x8x50x64xf32, #tpu.memory_space<vmem>> -> memref<8x50x64xf32, #tpu.memory_space<vmem>>
      %dma_start3A_642 = arith.constant 0 : i32
      %dma_start3A_643 = arith.constant 0 : i32
      %dma_start3A_644 = tpu.memref_slice %arg4[%add3A_634, %dma_start3A_642, %dma_start3A_643] : memref<16384x50x64xf32, #tpu.memory_space<hbm>> -> memref<8x50x64xf32, #tpu.memory_space<hbm>>
      %dma_start3A_645 = tpu.memref_slice %arg8[%dma_start3A_636] : memref<2x!tpu.dma_semaphore, #tpu.memory_space<semaphore_mem>> -> memref<1x!tpu.dma_semaphore, #tpu.memory_space<semaphore_mem>>
      %dma_start3A_646 = tpu.memref_squeeze %dma_start3A_645 : memref<1x!tpu.dma_semaphore, #tpu.memory_space<semaphore_mem>> -> memref<!tpu.dma_semaphore, #tpu.memory_space<semaphore_mem>>
      %dma_start3A_647 = arith.constant 0 : i32
      %dma_start3A_648 = arith.constant 0 : i32
      %dma_start3A_649 = tpu.memref_slice %arg4[%add3A_634, %dma_start3A_647, %dma_start3A_648] : memref<16384x50x64xf32, #tpu.memory_space<hbm>> -> memref<8x50x64xf32, #tpu.memory_space<hbm>>
      %dma_start3A_650 = arith.constant 0 : i32
      %dma_start3A_651 = arith.constant 0 : i32
      %dma_start3A_652 = arith.constant 0 : i32
      %dma_start3A_653 = tpu.memref_slice %arg6[%dma_start3A_635, %dma_start3A_650, %dma_start3A_651, %dma_start3A_652] : memref<2x8x50x64xf32, #tpu.memory_space<vmem>> -> memref<1x8x50x64xf32, #tpu.memory_space<vmem>>
      %dma_start3A_654 = tpu.memref_squeeze %dma_start3A_653 : memref<1x8x50x64xf32, #tpu.memory_space<vmem>> -> memref<8x50x64xf32, #tpu.memory_space<vmem>>
      tpu.enqueue_dma source(%dma_start3A_654 : memref<8x50x64xf32, #tpu.memory_space<vmem>>) target(%dma_start3A_649 : memref<8x50x64xf32, #tpu.memory_space<hbm>>) target_semaphore(%dma_start3A_646 : memref<!tpu.dma_semaphore, #tpu.memory_space<semaphore_mem>>)
      %dma_wait3A_655 = arith.constant 1 : i32
      %dma_wait3A_656 = arith.constant 1 : i32
      %dma_wait3A_657 = arith.constant 0 : i32
      %dma_wait3A_658 = arith.constant 0 : i32
      %dma_wait3A_659 = arith.constant 0 : i32
      %dma_wait3A_660 = tpu.memref_slice %arg6[%dma_wait3A_655, %dma_wait3A_657, %dma_wait3A_658, %dma_wait3A_659] : memref<2x8x50x64xf32, #tpu.memory_space<vmem>> -> memref<1x8x50x64xf32, #tpu.memory_space<vmem>>
      %dma_wait3A_661 = tpu.memref_squeeze %dma_wait3A_660 : memref<1x8x50x64xf32, #tpu.memory_space<vmem>> -> memref<8x50x64xf32, #tpu.memory_space<vmem>>
      %dma_wait3A_662 = arith.constant 0 : i32
      %dma_wait3A_663 = arith.constant 0 : i32
      %dma_wait3A_664 = tpu.memref_slice %arg4[%mul3A_2, %dma_wait3A_662, %dma_wait3A_663] : memref<16384x50x64xf32, #tpu.memory_space<hbm>> -> memref<8x50x64xf32, #tpu.memory_space<hbm>>
      %dma_wait3A_665 = tpu.memref_slice %arg8[%dma_wait3A_656] : memref<2x!tpu.dma_semaphore, #tpu.memory_space<semaphore_mem>> -> memref<1x!tpu.dma_semaphore, #tpu.memory_space<semaphore_mem>>
      %dma_wait3A_666 = tpu.memref_squeeze %dma_wait3A_665 : memref<1x!tpu.dma_semaphore, #tpu.memory_space<semaphore_mem>> -> memref<!tpu.dma_semaphore, #tpu.memory_space<semaphore_mem>>
      %dma_wait3A_667 = arith.constant 0 : i32
      %dma_wait3A_668 = arith.constant 0 : i32
      %dma_wait3A_669 = tpu.memref_slice %arg4[%mul3A_2, %dma_wait3A_667, %dma_wait3A_668] : memref<16384x50x64xf32, #tpu.memory_space<hbm>> -> memref<8x50x64xf32, #tpu.memory_space<hbm>>
      %dma_wait3A_670 = arith.constant 0 : i32
      %dma_wait3A_671 = arith.constant 0 : i32
      %dma_wait3A_672 = arith.constant 0 : i32
      %dma_wait3A_673 = tpu.memref_slice %arg6[%dma_wait3A_655, %dma_wait3A_670, %dma_wait3A_671, %dma_wait3A_672] : memref<2x8x50x64xf32, #tpu.memory_space<vmem>> -> memref<1x8x50x64xf32, #tpu.memory_space<vmem>>
      %dma_wait3A_674 = tpu.memref_squeeze %dma_wait3A_673 : memref<1x8x50x64xf32, #tpu.memory_space<vmem>> -> memref<8x50x64xf32, #tpu.memory_space<vmem>>
      tpu.wait_dma2 semaphore(%dma_wait3A_666 : memref<!tpu.dma_semaphore, #tpu.memory_space<semaphore_mem>>) src(%dma_wait3A_674 : memref<8x50x64xf32, #tpu.memory_space<vmem>>) dst(%dma_wait3A_669 : memref<8x50x64xf32, #tpu.memory_space<hbm>>)
      %add3A_675 = arith.constant 2 : i32
      %add3A_676 = arith.addi %add3A_611, %add3A_675 : i32
      %mul3A_677 = arith.constant 8 : i32
      %mul3A_678 = arith.muli %add3A_676, %mul3A_677 : i32
      %add3A_679 = arith.constant 0 : i32
      %add3A_680 = arith.addi %mul3A_678, %add3A_679 : i32
      %dma_start3A_681 = arith.constant 1 : i32
      %dma_start3A_682 = arith.constant 0 : i32
      %dma_start3A_683 = arith.constant 1 : i32
      %dma_start3A_684 = arith.constant 0 : i32
      %dma_start3A_685 = arith.constant 0 : i32
      %dma_start3A_686 = tpu.memref_slice %arg6[%dma_start3A_681, %dma_start3A_682, %dma_start3A_684, %dma_start3A_685] : memref<2x8x50x64xf32, #tpu.memory_space<vmem>> -> memref<1x1x50x64xf32, #tpu.memory_space<vmem>>
      %dma_start3A_687 = tpu.memref_squeeze %dma_start3A_686 : memref<1x1x50x64xf32, #tpu.memory_space<vmem>> -> memref<50x64xf32, #tpu.memory_space<vmem>>
      %dma_start3A_688 = arith.constant 0 : i32
      %dma_start3A_689 = tpu.memref_slice %arg5[%add3A_680, %dma_start3A_688] : memref<512x50xi32, #tpu.memory_space<vmem>> -> memref<1x50xi32, #tpu.memory_space<vmem>>
      %dma_start3A_690 = tpu.memref_squeeze %dma_start3A_689 : memref<1x50xi32, #tpu.memory_space<vmem>> -> memref<50xi32, #tpu.memory_space<vmem>>
      %dma_start3A_691 = arith.constant 0 : i32
      %dma_start3A_692 = arith.constant 0 : i32
      %dma_start3A_693 = tpu.memref_slice %arg3[%dma_start3A_691, %dma_start3A_692] : memref<1000001x64xf32, #tpu.memory_space<hbm>> -> memref<1000001x64xf32, #tpu.memory_space<hbm>>
      %dma_start3A_694 = tpu.memref_slice %arg7[%dma_start3A_683] : memref<2x!tpu.dma_semaphore, #tpu.memory_space<semaphore_mem>> -> memref<1x!tpu.dma_semaphore, #tpu.memory_space<semaphore_mem>>
      %dma_start3A_695 = tpu.memref_squeeze %dma_start3A_694 : memref<1x!tpu.dma_semaphore, #tpu.memory_space<semaphore_mem>> -> memref<!tpu.dma_semaphore, #tpu.memory_space<semaphore_mem>>
      tpu.enqueue_indirect_dma source(%dma_start3A_693 : memref<1000001x64xf32, #tpu.memory_space<hbm>>) target(%dma_start3A_687 : memref<50x64xf32, #tpu.memory_space<vmem>>) offsets(%dma_start3A_690 : memref<50xi32, #tpu.memory_space<vmem>>) semaphore(%dma_start3A_695 : memref<!tpu.dma_semaphore, #tpu.memory_space<semaphore_mem>>)
      %mul3A_696 = arith.constant 8 : i32
      %mul3A_697 = arith.muli %add3A_676, %mul3A_696 : i32
      %add3A_698 = arith.constant 1 : i32
      %add3A_699 = arith.addi %mul3A_697, %add3A_698 : i32
      %dma_start3A_700 = arith.constant 1 : i32
      %dma_start3A_701 = arith.constant 1 : i32
      %dma_start3A_702 = arith.constant 1 : i32
      %dma_start3A_703 = arith.constant 0 : i32
      %dma_start3A_704 = arith.constant 0 : i32
      %dma_start3A_705 = tpu.memref_slice %arg6[%dma_start3A_700, %dma_start3A_701, %dma_start3A_703, %dma_start3A_704] : memref<2x8x50x64xf32, #tpu.memory_space<vmem>> -> memref<1x1x50x64xf32, #tpu.memory_space<vmem>>
      %dma_start3A_706 = tpu.memref_squeeze %dma_start3A_705 : memref<1x1x50x64xf32, #tpu.memory_space<vmem>> -> memref<50x64xf32, #tpu.memory_space<vmem>>
      %dma_start3A_707 = arith.constant 0 : i32
      %dma_start3A_708 = tpu.memref_slice %arg5[%add3A_699, %dma_start3A_707] : memref<512x50xi32, #tpu.memory_space<vmem>> -> memref<1x50xi32, #tpu.memory_space<vmem>>
      %dma_start3A_709 = tpu.memref_squeeze %dma_start3A_708 : memref<1x50xi32, #tpu.memory_space<vmem>> -> memref<50xi32, #tpu.memory_space<vmem>>
      %dma_start3A_710 = arith.constant 0 : i32
      %dma_start3A_711 = arith.constant 0 : i32
      %dma_start3A_712 = tpu.memref_slice %arg3[%dma_start3A_710, %dma_start3A_711] : memref<1000001x64xf32, #tpu.memory_space<hbm>> -> memref<1000001x64xf32, #tpu.memory_space<hbm>>
      %dma_start3A_713 = tpu.memref_slice %arg7[%dma_start3A_702] : memref<2x!tpu.dma_semaphore, #tpu.memory_space<semaphore_mem>> -> memref<1x!tpu.dma_semaphore, #tpu.memory_space<semaphore_mem>>
      %dma_start3A_714 = tpu.memref_squeeze %dma_start3A_713 : memref<1x!tpu.dma_semaphore, #tpu.memory_space<semaphore_mem>> -> memref<!tpu.dma_semaphore, #tpu.memory_space<semaphore_mem>>
      tpu.enqueue_indirect_dma source(%dma_start3A_712 : memref<1000001x64xf32, #tpu.memory_space<hbm>>) target(%dma_start3A_706 : memref<50x64xf32, #tpu.memory_space<vmem>>) offsets(%dma_start3A_709 : memref<50xi32, #tpu.memory_space<vmem>>) semaphore(%dma_start3A_714 : memref<!tpu.dma_semaphore, #tpu.memory_space<semaphore_mem>>)
      %mul3A_715 = arith.constant 8 : i32
      %mul3A_716 = arith.muli %add3A_676, %mul3A_715 : i32
      %add3A_717 = arith.constant 2 : i32
      %add3A_718 = arith.addi %mul3A_716, %add3A_717 : i32
      %dma_start3A_719 = arith.constant 1 : i32
      %dma_start3A_720 = arith.constant 2 : i32
      %dma_start3A_721 = arith.constant 1 : i32
      %dma_start3A_722 = arith.constant 0 : i32
      %dma_start3A_723 = arith.constant 0 : i32
      %dma_start3A_724 = tpu.memref_slice %arg6[%dma_start3A_719, %dma_start3A_720, %dma_start3A_722, %dma_start3A_723] : memref<2x8x50x64xf32, #tpu.memory_space<vmem>> -> memref<1x1x50x64xf32, #tpu.memory_space<vmem>>
      %dma_start3A_725 = tpu.memref_squeeze %dma_start3A_724 : memref<1x1x50x64xf32, #tpu.memory_space<vmem>> -> memref<50x64xf32, #tpu.memory_space<vmem>>
      %dma_start3A_726 = arith.constant 0 : i32
      %dma_start3A_727 = tpu.memref_slice %arg5[%add3A_718, %dma_start3A_726] : memref<512x50xi32, #tpu.memory_space<vmem>> -> memref<1x50xi32, #tpu.memory_space<vmem>>
      %dma_start3A_728 = tpu.memref_squeeze %dma_start3A_727 : memref<1x50xi32, #tpu.memory_space<vmem>> -> memref<50xi32, #tpu.memory_space<vmem>>
      %dma_start3A_729 = arith.constant 0 : i32
      %dma_start3A_730 = arith.constant 0 : i32
      %dma_start3A_731 = tpu.memref_slice %arg3[%dma_start3A_729, %dma_start3A_730] : memref<1000001x64xf32, #tpu.memory_space<hbm>> -> memref<1000001x64xf32, #tpu.memory_space<hbm>>
      %dma_start3A_732 = tpu.memref_slice %arg7[%dma_start3A_721] : memref<2x!tpu.dma_semaphore, #tpu.memory_space<semaphore_mem>> -> memref<1x!tpu.dma_semaphore, #tpu.memory_space<semaphore_mem>>
      %dma_start3A_733 = tpu.memref_squeeze %dma_start3A_732 : memref<1x!tpu.dma_semaphore, #tpu.memory_space<semaphore_mem>> -> memref<!tpu.dma_semaphore, #tpu.memory_space<semaphore_mem>>
      tpu.enqueue_indirect_dma source(%dma_start3A_731 : memref<1000001x64xf32, #tpu.memory_space<hbm>>) target(%dma_start3A_725 : memref<50x64xf32, #tpu.memory_space<vmem>>) offsets(%dma_start3A_728 : memref<50xi32, #tpu.memory_space<vmem>>) semaphore(%dma_start3A_733 : memref<!tpu.dma_semaphore, #tpu.memory_space<semaphore_mem>>)
      %mul3A_734 = arith.constant 8 : i32
      %mul3A_735 = arith.muli %add3A_676, %mul3A_734 : i32
      %add3A_736 = arith.constant 3 : i32
      %add3A_737 = arith.addi %mul3A_735, %add3A_736 : i32
      %dma_start3A_738 = arith.constant 1 : i32
      %dma_start3A_739 = arith.constant 3 : i32
      %dma_start3A_740 = arith.constant 1 : i32
      %dma_start3A_741 = arith.constant 0 : i32
      %dma_start3A_742 = arith.constant 0 : i32
      %dma_start3A_743 = tpu.memref_slice %arg6[%dma_start3A_738, %dma_start3A_739, %dma_start3A_741, %dma_start3A_742] : memref<2x8x50x64xf32, #tpu.memory_space<vmem>> -> memref<1x1x50x64xf32, #tpu.memory_space<vmem>>
      %dma_start3A_744 = tpu.memref_squeeze %dma_start3A_743 : memref<1x1x50x64xf32, #tpu.memory_space<vmem>> -> memref<50x64xf32, #tpu.memory_space<vmem>>
      %dma_start3A_745 = arith.constant 0 : i32
      %dma_start3A_746 = tpu.memref_slice %arg5[%add3A_737, %dma_start3A_745] : memref<512x50xi32, #tpu.memory_space<vmem>> -> memref<1x50xi32, #tpu.memory_space<vmem>>
      %dma_start3A_747 = tpu.memref_squeeze %dma_start3A_746 : memref<1x50xi32, #tpu.memory_space<vmem>> -> memref<50xi32, #tpu.memory_space<vmem>>
      %dma_start3A_748 = arith.constant 0 : i32
      %dma_start3A_749 = arith.constant 0 : i32
      %dma_start3A_750 = tpu.memref_slice %arg3[%dma_start3A_748, %dma_start3A_749] : memref<1000001x64xf32, #tpu.memory_space<hbm>> -> memref<1000001x64xf32, #tpu.memory_space<hbm>>
      %dma_start3A_751 = tpu.memref_slice %arg7[%dma_start3A_740] : memref<2x!tpu.dma_semaphore, #tpu.memory_space<semaphore_mem>> -> memref<1x!tpu.dma_semaphore, #tpu.memory_space<semaphore_mem>>
      %dma_start3A_752 = tpu.memref_squeeze %dma_start3A_751 : memref<1x!tpu.dma_semaphore, #tpu.memory_space<semaphore_mem>> -> memref<!tpu.dma_semaphore, #tpu.memory_space<semaphore_mem>>
      tpu.enqueue_indirect_dma source(%dma_start3A_750 : memref<1000001x64xf32, #tpu.memory_space<hbm>>) target(%dma_start3A_744 : memref<50x64xf32, #tpu.memory_space<vmem>>) offsets(%dma_start3A_747 : memref<50xi32, #tpu.memory_space<vmem>>) semaphore(%dma_start3A_752 : memref<!tpu.dma_semaphore, #tpu.memory_space<semaphore_mem>>)
      %mul3A_753 = arith.constant 8 : i32
      %mul3A_754 = arith.muli %add3A_676, %mul3A_753 : i32
      %add3A_755 = arith.constant 4 : i32
      %add3A_756 = arith.addi %mul3A_754, %add3A_755 : i32
      %dma_start3A_757 = arith.constant 1 : i32
      %dma_start3A_758 = arith.constant 4 : i32
      %dma_start3A_759 = arith.constant 1 : i32
      %dma_start3A_760 = arith.constant 0 : i32
      %dma_start3A_761 = arith.constant 0 : i32
      %dma_start3A_762 = tpu.memref_slice %arg6[%dma_start3A_757, %dma_start3A_758, %dma_start3A_760, %dma_start3A_761] : memref<2x8x50x64xf32, #tpu.memory_space<vmem>> -> memref<1x1x50x64xf32, #tpu.memory_space<vmem>>
      %dma_start3A_763 = tpu.memref_squeeze %dma_start3A_762 : memref<1x1x50x64xf32, #tpu.memory_space<vmem>> -> memref<50x64xf32, #tpu.memory_space<vmem>>
      %dma_start3A_764 = arith.constant 0 : i32
      %dma_start3A_765 = tpu.memref_slice %arg5[%add3A_756, %dma_start3A_764] : memref<512x50xi32, #tpu.memory_space<vmem>> -> memref<1x50xi32, #tpu.memory_space<vmem>>
      %dma_start3A_766 = tpu.memref_squeeze %dma_start3A_765 : memref<1x50xi32, #tpu.memory_space<vmem>> -> memref<50xi32, #tpu.memory_space<vmem>>
      %dma_start3A_767 = arith.constant 0 : i32
      %dma_start3A_768 = arith.constant 0 : i32
      %dma_start3A_769 = tpu.memref_slice %arg3[%dma_start3A_767, %dma_start3A_768] : memref<1000001x64xf32, #tpu.memory_space<hbm>> -> memref<1000001x64xf32, #tpu.memory_space<hbm>>
      %dma_start3A_770 = tpu.memref_slice %arg7[%dma_start3A_759] : memref<2x!tpu.dma_semaphore, #tpu.memory_space<semaphore_mem>> -> memref<1x!tpu.dma_semaphore, #tpu.memory_space<semaphore_mem>>
      %dma_start3A_771 = tpu.memref_squeeze %dma_start3A_770 : memref<1x!tpu.dma_semaphore, #tpu.memory_space<semaphore_mem>> -> memref<!tpu.dma_semaphore, #tpu.memory_space<semaphore_mem>>
      tpu.enqueue_indirect_dma source(%dma_start3A_769 : memref<1000001x64xf32, #tpu.memory_space<hbm>>) target(%dma_start3A_763 : memref<50x64xf32, #tpu.memory_space<vmem>>) offsets(%dma_start3A_766 : memref<50xi32, #tpu.memory_space<vmem>>) semaphore(%dma_start3A_771 : memref<!tpu.dma_semaphore, #tpu.memory_space<semaphore_mem>>)
      %mul3A_772 = arith.constant 8 : i32
      %mul3A_773 = arith.muli %add3A_676, %mul3A_772 : i32
      %add3A_774 = arith.constant 5 : i32
      %add3A_775 = arith.addi %mul3A_773, %add3A_774 : i32
      %dma_start3A_776 = arith.constant 1 : i32
      %dma_start3A_777 = arith.constant 5 : i32
      %dma_start3A_778 = arith.constant 1 : i32
      %dma_start3A_779 = arith.constant 0 : i32
      %dma_start3A_780 = arith.constant 0 : i32
      %dma_start3A_781 = tpu.memref_slice %arg6[%dma_start3A_776, %dma_start3A_777, %dma_start3A_779, %dma_start3A_780] : memref<2x8x50x64xf32, #tpu.memory_space<vmem>> -> memref<1x1x50x64xf32, #tpu.memory_space<vmem>>
      %dma_start3A_782 = tpu.memref_squeeze %dma_start3A_781 : memref<1x1x50x64xf32, #tpu.memory_space<vmem>> -> memref<50x64xf32, #tpu.memory_space<vmem>>
      %dma_start3A_783 = arith.constant 0 : i32
      %dma_start3A_784 = tpu.memref_slice %arg5[%add3A_775, %dma_start3A_783] : memref<512x50xi32, #tpu.memory_space<vmem>> -> memref<1x50xi32, #tpu.memory_space<vmem>>
      %dma_start3A_785 = tpu.memref_squeeze %dma_start3A_784 : memref<1x50xi32, #tpu.memory_space<vmem>> -> memref<50xi32, #tpu.memory_space<vmem>>
      %dma_start3A_786 = arith.constant 0 : i32
      %dma_start3A_787 = arith.constant 0 : i32
      %dma_start3A_788 = tpu.memref_slice %arg3[%dma_start3A_786, %dma_start3A_787] : memref<1000001x64xf32, #tpu.memory_space<hbm>> -> memref<1000001x64xf32, #tpu.memory_space<hbm>>
      %dma_start3A_789 = tpu.memref_slice %arg7[%dma_start3A_778] : memref<2x!tpu.dma_semaphore, #tpu.memory_space<semaphore_mem>> -> memref<1x!tpu.dma_semaphore, #tpu.memory_space<semaphore_mem>>
      %dma_start3A_790 = tpu.memref_squeeze %dma_start3A_789 : memref<1x!tpu.dma_semaphore, #tpu.memory_space<semaphore_mem>> -> memref<!tpu.dma_semaphore, #tpu.memory_space<semaphore_mem>>
      tpu.enqueue_indirect_dma source(%dma_start3A_788 : memref<1000001x64xf32, #tpu.memory_space<hbm>>) target(%dma_start3A_782 : memref<50x64xf32, #tpu.memory_space<vmem>>) offsets(%dma_start3A_785 : memref<50xi32, #tpu.memory_space<vmem>>) semaphore(%dma_start3A_790 : memref<!tpu.dma_semaphore, #tpu.memory_space<semaphore_mem>>)
      %mul3A_791 = arith.constant 8 : i32
      %mul3A_792 = arith.muli %add3A_676, %mul3A_791 : i32
      %add3A_793 = arith.constant 6 : i32
      %add3A_794 = arith.addi %mul3A_792, %add3A_793 : i32
      %dma_start3A_795 = arith.constant 1 : i32
      %dma_start3A_796 = arith.constant 6 : i32
      %dma_start3A_797 = arith.constant 1 : i32
      %dma_start3A_798 = arith.constant 0 : i32
      %dma_start3A_799 = arith.constant 0 : i32
      %dma_start3A_800 = tpu.memref_slice %arg6[%dma_start3A_795, %dma_start3A_796, %dma_start3A_798, %dma_start3A_799] : memref<2x8x50x64xf32, #tpu.memory_space<vmem>> -> memref<1x1x50x64xf32, #tpu.memory_space<vmem>>
      %dma_start3A_801 = tpu.memref_squeeze %dma_start3A_800 : memref<1x1x50x64xf32, #tpu.memory_space<vmem>> -> memref<50x64xf32, #tpu.memory_space<vmem>>
      %dma_start3A_802 = arith.constant 0 : i32
      %dma_start3A_803 = tpu.memref_slice %arg5[%add3A_794, %dma_start3A_802] : memref<512x50xi32, #tpu.memory_space<vmem>> -> memref<1x50xi32, #tpu.memory_space<vmem>>
      %dma_start3A_804 = tpu.memref_squeeze %dma_start3A_803 : memref<1x50xi32, #tpu.memory_space<vmem>> -> memref<50xi32, #tpu.memory_space<vmem>>
      %dma_start3A_805 = arith.constant 0 : i32
      %dma_start3A_806 = arith.constant 0 : i32
      %dma_start3A_807 = tpu.memref_slice %arg3[%dma_start3A_805, %dma_start3A_806] : memref<1000001x64xf32, #tpu.memory_space<hbm>> -> memref<1000001x64xf32, #tpu.memory_space<hbm>>
      %dma_start3A_808 = tpu.memref_slice %arg7[%dma_start3A_797] : memref<2x!tpu.dma_semaphore, #tpu.memory_space<semaphore_mem>> -> memref<1x!tpu.dma_semaphore, #tpu.memory_space<semaphore_mem>>
      %dma_start3A_809 = tpu.memref_squeeze %dma_start3A_808 : memref<1x!tpu.dma_semaphore, #tpu.memory_space<semaphore_mem>> -> memref<!tpu.dma_semaphore, #tpu.memory_space<semaphore_mem>>
      tpu.enqueue_indirect_dma source(%dma_start3A_807 : memref<1000001x64xf32, #tpu.memory_space<hbm>>) target(%dma_start3A_801 : memref<50x64xf32, #tpu.memory_space<vmem>>) offsets(%dma_start3A_804 : memref<50xi32, #tpu.memory_space<vmem>>) semaphore(%dma_start3A_809 : memref<!tpu.dma_semaphore, #tpu.memory_space<semaphore_mem>>)
      %mul3A_810 = arith.constant 8 : i32
      %mul3A_811 = arith.muli %add3A_676, %mul3A_810 : i32
      %add3A_812 = arith.constant 7 : i32
      %add3A_813 = arith.addi %mul3A_811, %add3A_812 : i32
      %dma_start3A_814 = arith.constant 1 : i32
      %dma_start3A_815 = arith.constant 7 : i32
      %dma_start3A_816 = arith.constant 1 : i32
      %dma_start3A_817 = arith.constant 0 : i32
      %dma_start3A_818 = arith.constant 0 : i32
      %dma_start3A_819 = tpu.memref_slice %arg6[%dma_start3A_814, %dma_start3A_815, %dma_start3A_817, %dma_start3A_818] : memref<2x8x50x64xf32, #tpu.memory_space<vmem>> -> memref<1x1x50x64xf32, #tpu.memory_space<vmem>>
      %dma_start3A_820 = tpu.memref_squeeze %dma_start3A_819 : memref<1x1x50x64xf32, #tpu.memory_space<vmem>> -> memref<50x64xf32, #tpu.memory_space<vmem>>
      %dma_start3A_821 = arith.constant 0 : i32
      %dma_start3A_822 = tpu.memref_slice %arg5[%add3A_813, %dma_start3A_821] : memref<512x50xi32, #tpu.memory_space<vmem>> -> memref<1x50xi32, #tpu.memory_space<vmem>>
      %dma_start3A_823 = tpu.memref_squeeze %dma_start3A_822 : memref<1x50xi32, #tpu.memory_space<vmem>> -> memref<50xi32, #tpu.memory_space<vmem>>
      %dma_start3A_824 = arith.constant 0 : i32
      %dma_start3A_825 = arith.constant 0 : i32
      %dma_start3A_826 = tpu.memref_slice %arg3[%dma_start3A_824, %dma_start3A_825] : memref<1000001x64xf32, #tpu.memory_space<hbm>> -> memref<1000001x64xf32, #tpu.memory_space<hbm>>
      %dma_start3A_827 = tpu.memref_slice %arg7[%dma_start3A_816] : memref<2x!tpu.dma_semaphore, #tpu.memory_space<semaphore_mem>> -> memref<1x!tpu.dma_semaphore, #tpu.memory_space<semaphore_mem>>
      %dma_start3A_828 = tpu.memref_squeeze %dma_start3A_827 : memref<1x!tpu.dma_semaphore, #tpu.memory_space<semaphore_mem>> -> memref<!tpu.dma_semaphore, #tpu.memory_space<semaphore_mem>>
      tpu.enqueue_indirect_dma source(%dma_start3A_826 : memref<1000001x64xf32, #tpu.memory_space<hbm>>) target(%dma_start3A_820 : memref<50x64xf32, #tpu.memory_space<vmem>>) offsets(%dma_start3A_823 : memref<50xi32, #tpu.memory_space<vmem>>) semaphore(%dma_start3A_828 : memref<!tpu.dma_semaphore, #tpu.memory_space<semaphore_mem>>)
    }
    %scan3A_262 = arith.constant 31 : i32
    %dma_wait3A = arith.constant 0 : i32
    %dma_wait3A_263 = arith.constant 0 : i32
    %dma_wait3A_264 = arith.constant 0 : i32
    %dma_wait3A_265 = arith.constant 0 : i32
    %dma_wait3A_266 = arith.constant 0 : i32
    %dma_wait3A_267 = tpu.memref_slice %arg6[%dma_wait3A, %dma_wait3A_264, %dma_wait3A_265, %dma_wait3A_266] : memref<2x8x50x64xf32, #tpu.memory_space<vmem>> -> memref<1x8x50x64xf32, #tpu.memory_space<vmem>>
    %dma_wait3A_268 = tpu.memref_squeeze %dma_wait3A_267 : memref<1x8x50x64xf32, #tpu.memory_space<vmem>> -> memref<8x50x64xf32, #tpu.memory_space<vmem>>
    %dma_wait3A_269 = arith.constant 0 : i32
    %dma_wait3A_270 = arith.constant 0 : i32
    %dma_wait3A_271 = tpu.memref_slice %arg4[%mul3A_2, %dma_wait3A_269, %dma_wait3A_270] : memref<16384x50x64xf32, #tpu.memory_space<hbm>> -> memref<8x50x64xf32, #tpu.memory_space<hbm>>
    %dma_wait3A_272 = tpu.memref_slice %arg7[%dma_wait3A_263] : memref<2x!tpu.dma_semaphore, #tpu.memory_space<semaphore_mem>> -> memref<1x!tpu.dma_semaphore, #tpu.memory_space<semaphore_mem>>
    %dma_wait3A_273 = tpu.memref_squeeze %dma_wait3A_272 : memref<1x!tpu.dma_semaphore, #tpu.memory_space<semaphore_mem>> -> memref<!tpu.dma_semaphore, #tpu.memory_space<semaphore_mem>>
    %dma_wait3A_274 = arith.constant 0 : i32
    %dma_wait3A_275 = arith.constant 0 : i32
    %dma_wait3A_276 = arith.constant 0 : i32
    %dma_wait3A_277 = tpu.memref_slice %arg6[%dma_wait3A, %dma_wait3A_274, %dma_wait3A_275, %dma_wait3A_276] : memref<2x8x50x64xf32, #tpu.memory_space<vmem>> -> memref<1x8x50x64xf32, #tpu.memory_space<vmem>>
    %dma_wait3A_278 = tpu.memref_squeeze %dma_wait3A_277 : memref<1x8x50x64xf32, #tpu.memory_space<vmem>> -> memref<8x50x64xf32, #tpu.memory_space<vmem>>
    %dma_wait3A_279 = arith.constant 0 : i32
    %dma_wait3A_280 = arith.constant 0 : i32
    %dma_wait3A_281 = tpu.memref_slice %arg4[%mul3A_2, %dma_wait3A_279, %dma_wait3A_280] : memref<16384x50x64xf32, #tpu.memory_space<hbm>> -> memref<8x50x64xf32, #tpu.memory_space<hbm>>
    tpu.wait_dma2 semaphore(%dma_wait3A_273 : memref<!tpu.dma_semaphore, #tpu.memory_space<semaphore_mem>>) src(%dma_wait3A_281 : memref<8x50x64xf32, #tpu.memory_space<hbm>>) dst(%dma_wait3A_278 : memref<8x50x64xf32, #tpu.memory_space<vmem>>)
    %add3A_282 = arith.constant 496 : i32
    %add3A_283 = arith.addi %mul3A_2, %add3A_282 : i32
    %dma_start3A_284 = arith.constant 0 : i32
    %dma_start3A_285 = arith.constant 0 : i32
    %dma_start3A_286 = arith.constant 0 : i32
    %dma_start3A_287 = arith.constant 0 : i32
    %dma_start3A_288 = arith.constant 0 : i32
    %dma_start3A_289 = tpu.memref_slice %arg6[%dma_start3A_284, %dma_start3A_286, %dma_start3A_287, %dma_start3A_288] : memref<2x8x50x64xf32, #tpu.memory_space<vmem>> -> memref<1x8x50x64xf32, #tpu.memory_space<vmem>>
    %dma_start3A_290 = tpu.memref_squeeze %dma_start3A_289 : memref<1x8x50x64xf32, #tpu.memory_space<vmem>> -> memref<8x50x64xf32, #tpu.memory_space<vmem>>
    %dma_start3A_291 = arith.constant 0 : i32
    %dma_start3A_292 = arith.constant 0 : i32
    %dma_start3A_293 = tpu.memref_slice %arg4[%add3A_283, %dma_start3A_291, %dma_start3A_292] : memref<16384x50x64xf32, #tpu.memory_space<hbm>> -> memref<8x50x64xf32, #tpu.memory_space<hbm>>
    %dma_start3A_294 = tpu.memref_slice %arg8[%dma_start3A_285] : memref<2x!tpu.dma_semaphore, #tpu.memory_space<semaphore_mem>> -> memref<1x!tpu.dma_semaphore, #tpu.memory_space<semaphore_mem>>
    %dma_start3A_295 = tpu.memref_squeeze %dma_start3A_294 : memref<1x!tpu.dma_semaphore, #tpu.memory_space<semaphore_mem>> -> memref<!tpu.dma_semaphore, #tpu.memory_space<semaphore_mem>>
    %dma_start3A_296 = arith.constant 0 : i32
    %dma_start3A_297 = arith.constant 0 : i32
    %dma_start3A_298 = tpu.memref_slice %arg4[%add3A_283, %dma_start3A_296, %dma_start3A_297] : memref<16384x50x64xf32, #tpu.memory_space<hbm>> -> memref<8x50x64xf32, #tpu.memory_space<hbm>>
    %dma_start3A_299 = arith.constant 0 : i32
    %dma_start3A_300 = arith.constant 0 : i32
    %dma_start3A_301 = arith.constant 0 : i32
    %dma_start3A_302 = tpu.memref_slice %arg6[%dma_start3A_284, %dma_start3A_299, %dma_start3A_300, %dma_start3A_301] : memref<2x8x50x64xf32, #tpu.memory_space<vmem>> -> memref<1x8x50x64xf32, #tpu.memory_space<vmem>>
    %dma_start3A_303 = tpu.memref_squeeze %dma_start3A_302 : memref<1x8x50x64xf32, #tpu.memory_space<vmem>> -> memref<8x50x64xf32, #tpu.memory_space<vmem>>
    tpu.enqueue_dma source(%dma_start3A_303 : memref<8x50x64xf32, #tpu.memory_space<vmem>>) target(%dma_start3A_298 : memref<8x50x64xf32, #tpu.memory_space<hbm>>) target_semaphore(%dma_start3A_295 : memref<!tpu.dma_semaphore, #tpu.memory_space<semaphore_mem>>)
    %dma_wait3A_304 = arith.constant 0 : i32
    %dma_wait3A_305 = arith.constant 0 : i32
    %dma_wait3A_306 = arith.constant 0 : i32
    %dma_wait3A_307 = arith.constant 0 : i32
    %dma_wait3A_308 = arith.constant 0 : i32
    %dma_wait3A_309 = tpu.memref_slice %arg6[%dma_wait3A_304, %dma_wait3A_306, %dma_wait3A_307, %dma_wait3A_308] : memref<2x8x50x64xf32, #tpu.memory_space<vmem>> -> memref<1x8x50x64xf32, #tpu.memory_space<vmem>>
    %dma_wait3A_310 = tpu.memref_squeeze %dma_wait3A_309 : memref<1x8x50x64xf32, #tpu.memory_space<vmem>> -> memref<8x50x64xf32, #tpu.memory_space<vmem>>
    %dma_wait3A_311 = arith.constant 0 : i32
    %dma_wait3A_312 = arith.constant 0 : i32
    %dma_wait3A_313 = tpu.memref_slice %arg4[%mul3A_2, %dma_wait3A_311, %dma_wait3A_312] : memref<16384x50x64xf32, #tpu.memory_space<hbm>> -> memref<8x50x64xf32, #tpu.memory_space<hbm>>
    %dma_wait3A_314 = tpu.memref_slice %arg8[%dma_wait3A_305] : memref<2x!tpu.dma_semaphore, #tpu.memory_space<semaphore_mem>> -> memref<1x!tpu.dma_semaphore, #tpu.memory_space<semaphore_mem>>
    %dma_wait3A_315 = tpu.memref_squeeze %dma_wait3A_314 : memref<1x!tpu.dma_semaphore, #tpu.memory_space<semaphore_mem>> -> memref<!tpu.dma_semaphore, #tpu.memory_space<semaphore_mem>>
    %dma_wait3A_316 = arith.constant 0 : i32
    %dma_wait3A_317 = arith.constant 0 : i32
    %dma_wait3A_318 = tpu.memref_slice %arg4[%mul3A_2, %dma_wait3A_316, %dma_wait3A_317] : memref<16384x50x64xf32, #tpu.memory_space<hbm>> -> memref<8x50x64xf32, #tpu.memory_space<hbm>>
    %dma_wait3A_319 = arith.constant 0 : i32
    %dma_wait3A_320 = arith.constant 0 : i32
    %dma_wait3A_321 = arith.constant 0 : i32
    %dma_wait3A_322 = tpu.memref_slice %arg6[%dma_wait3A_304, %dma_wait3A_319, %dma_wait3A_320, %dma_wait3A_321] : memref<2x8x50x64xf32, #tpu.memory_space<vmem>> -> memref<1x8x50x64xf32, #tpu.memory_space<vmem>>
    %dma_wait3A_323 = tpu.memref_squeeze %dma_wait3A_322 : memref<1x8x50x64xf32, #tpu.memory_space<vmem>> -> memref<8x50x64xf32, #tpu.memory_space<vmem>>
    tpu.wait_dma2 semaphore(%dma_wait3A_315 : memref<!tpu.dma_semaphore, #tpu.memory_space<semaphore_mem>>) src(%dma_wait3A_323 : memref<8x50x64xf32, #tpu.memory_space<vmem>>) dst(%dma_wait3A_318 : memref<8x50x64xf32, #tpu.memory_space<hbm>>)
    %dma_wait3A_324 = arith.constant 1 : i32
    %dma_wait3A_325 = arith.constant 1 : i32
    %dma_wait3A_326 = arith.constant 0 : i32
    %dma_wait3A_327 = arith.constant 0 : i32
    %dma_wait3A_328 = arith.constant 0 : i32
    %dma_wait3A_329 = tpu.memref_slice %arg6[%dma_wait3A_324, %dma_wait3A_326, %dma_wait3A_327, %dma_wait3A_328] : memref<2x8x50x64xf32, #tpu.memory_space<vmem>> -> memref<1x8x50x64xf32, #tpu.memory_space<vmem>>
    %dma_wait3A_330 = tpu.memref_squeeze %dma_wait3A_329 : memref<1x8x50x64xf32, #tpu.memory_space<vmem>> -> memref<8x50x64xf32, #tpu.memory_space<vmem>>
    %dma_wait3A_331 = arith.constant 0 : i32
    %dma_wait3A_332 = arith.constant 0 : i32
    %dma_wait3A_333 = tpu.memref_slice %arg4[%mul3A_2, %dma_wait3A_331, %dma_wait3A_332] : memref<16384x50x64xf32, #tpu.memory_space<hbm>> -> memref<8x50x64xf32, #tpu.memory_space<hbm>>
    %dma_wait3A_334 = tpu.memref_slice %arg7[%dma_wait3A_325] : memref<2x!tpu.dma_semaphore, #tpu.memory_space<semaphore_mem>> -> memref<1x!tpu.dma_semaphore, #tpu.memory_space<semaphore_mem>>
    %dma_wait3A_335 = tpu.memref_squeeze %dma_wait3A_334 : memref<1x!tpu.dma_semaphore, #tpu.memory_space<semaphore_mem>> -> memref<!tpu.dma_semaphore, #tpu.memory_space<semaphore_mem>>
    %dma_wait3A_336 = arith.constant 0 : i32
    %dma_wait3A_337 = arith.constant 0 : i32
    %dma_wait3A_338 = arith.constant 0 : i32
    %dma_wait3A_339 = tpu.memref_slice %arg6[%dma_wait3A_324, %dma_wait3A_336, %dma_wait3A_337, %dma_wait3A_338] : memref<2x8x50x64xf32, #tpu.memory_space<vmem>> -> memref<1x8x50x64xf32, #tpu.memory_space<vmem>>
    %dma_wait3A_340 = tpu.memref_squeeze %dma_wait3A_339 : memref<1x8x50x64xf32, #tpu.memory_space<vmem>> -> memref<8x50x64xf32, #tpu.memory_space<vmem>>
    %dma_wait3A_341 = arith.constant 0 : i32
    %dma_wait3A_342 = arith.constant 0 : i32
    %dma_wait3A_343 = tpu.memref_slice %arg4[%mul3A_2, %dma_wait3A_341, %dma_wait3A_342] : memref<16384x50x64xf32, #tpu.memory_space<hbm>> -> memref<8x50x64xf32, #tpu.memory_space<hbm>>
    tpu.wait_dma2 semaphore(%dma_wait3A_335 : memref<!tpu.dma_semaphore, #tpu.memory_space<semaphore_mem>>) src(%dma_wait3A_343 : memref<8x50x64xf32, #tpu.memory_space<hbm>>) dst(%dma_wait3A_340 : memref<8x50x64xf32, #tpu.memory_space<vmem>>)
    %add3A_344 = arith.constant 504 : i32
    %add3A_345 = arith.addi %mul3A_2, %add3A_344 : i32
    %dma_start3A_346 = arith.constant 1 : i32
    %dma_start3A_347 = arith.constant 1 : i32
    %dma_start3A_348 = arith.constant 0 : i32
    %dma_start3A_349 = arith.constant 0 : i32
    %dma_start3A_350 = arith.constant 0 : i32
    %dma_start3A_351 = tpu.memref_slice %arg6[%dma_start3A_346, %dma_start3A_348, %dma_start3A_349, %dma_start3A_350] : memref<2x8x50x64xf32, #tpu.memory_space<vmem>> -> memref<1x8x50x64xf32, #tpu.memory_space<vmem>>
    %dma_start3A_352 = tpu.memref_squeeze %dma_start3A_351 : memref<1x8x50x64xf32, #tpu.memory_space<vmem>> -> memref<8x50x64xf32, #tpu.memory_space<vmem>>
    %dma_start3A_353 = arith.constant 0 : i32
    %dma_start3A_354 = arith.constant 0 : i32
    %dma_start3A_355 = tpu.memref_slice %arg4[%add3A_345, %dma_start3A_353, %dma_start3A_354] : memref<16384x50x64xf32, #tpu.memory_space<hbm>> -> memref<8x50x64xf32, #tpu.memory_space<hbm>>
    %dma_start3A_356 = tpu.memref_slice %arg8[%dma_start3A_347] : memref<2x!tpu.dma_semaphore, #tpu.memory_space<semaphore_mem>> -> memref<1x!tpu.dma_semaphore, #tpu.memory_space<semaphore_mem>>
    %dma_start3A_357 = tpu.memref_squeeze %dma_start3A_356 : memref<1x!tpu.dma_semaphore, #tpu.memory_space<semaphore_mem>> -> memref<!tpu.dma_semaphore, #tpu.memory_space<semaphore_mem>>
    %dma_start3A_358 = arith.constant 0 : i32
    %dma_start3A_359 = arith.constant 0 : i32
    %dma_start3A_360 = tpu.memref_slice %arg4[%add3A_345, %dma_start3A_358, %dma_start3A_359] : memref<16384x50x64xf32, #tpu.memory_space<hbm>> -> memref<8x50x64xf32, #tpu.memory_space<hbm>>
    %dma_start3A_361 = arith.constant 0 : i32
    %dma_start3A_362 = arith.constant 0 : i32
    %dma_start3A_363 = arith.constant 0 : i32
    %dma_start3A_364 = tpu.memref_slice %arg6[%dma_start3A_346, %dma_start3A_361, %dma_start3A_362, %dma_start3A_363] : memref<2x8x50x64xf32, #tpu.memory_space<vmem>> -> memref<1x8x50x64xf32, #tpu.memory_space<vmem>>
    %dma_start3A_365 = tpu.memref_squeeze %dma_start3A_364 : memref<1x8x50x64xf32, #tpu.memory_space<vmem>> -> memref<8x50x64xf32, #tpu.memory_space<vmem>>
    tpu.enqueue_dma source(%dma_start3A_365 : memref<8x50x64xf32, #tpu.memory_space<vmem>>) target(%dma_start3A_360 : memref<8x50x64xf32, #tpu.memory_space<hbm>>) target_semaphore(%dma_start3A_357 : memref<!tpu.dma_semaphore, #tpu.memory_space<semaphore_mem>>)
    %dma_wait3A_366 = arith.constant 1 : i32
    %dma_wait3A_367 = arith.constant 1 : i32
    %dma_wait3A_368 = arith.constant 0 : i32
    %dma_wait3A_369 = arith.constant 0 : i32
    %dma_wait3A_370 = arith.constant 0 : i32
    %dma_wait3A_371 = tpu.memref_slice %arg6[%dma_wait3A_366, %dma_wait3A_368, %dma_wait3A_369, %dma_wait3A_370] : memref<2x8x50x64xf32, #tpu.memory_space<vmem>> -> memref<1x8x50x64xf32, #tpu.memory_space<vmem>>
    %dma_wait3A_372 = tpu.memref_squeeze %dma_wait3A_371 : memref<1x8x50x64xf32, #tpu.memory_space<vmem>> -> memref<8x50x64xf32, #tpu.memory_space<vmem>>
    %dma_wait3A_373 = arith.constant 0 : i32
    %dma_wait3A_374 = arith.constant 0 : i32
    %dma_wait3A_375 = tpu.memref_slice %arg4[%mul3A_2, %dma_wait3A_373, %dma_wait3A_374] : memref<16384x50x64xf32, #tpu.memory_space<hbm>> -> memref<8x50x64xf32, #tpu.memory_space<hbm>>
    %dma_wait3A_376 = tpu.memref_slice %arg8[%dma_wait3A_367] : memref<2x!tpu.dma_semaphore, #tpu.memory_space<semaphore_mem>> -> memref<1x!tpu.dma_semaphore, #tpu.memory_space<semaphore_mem>>
    %dma_wait3A_377 = tpu.memref_squeeze %dma_wait3A_376 : memref<1x!tpu.dma_semaphore, #tpu.memory_space<semaphore_mem>> -> memref<!tpu.dma_semaphore, #tpu.memory_space<semaphore_mem>>
    %dma_wait3A_378 = arith.constant 0 : i32
    %dma_wait3A_379 = arith.constant 0 : i32
    %dma_wait3A_380 = tpu.memref_slice %arg4[%mul3A_2, %dma_wait3A_378, %dma_wait3A_379] : memref<16384x50x64xf32, #tpu.memory_space<hbm>> -> memref<8x50x64xf32, #tpu.memory_space<hbm>>
    %dma_wait3A_381 = arith.constant 0 : i32
    %dma_wait3A_382 = arith.constant 0 : i32
    %dma_wait3A_383 = arith.constant 0 : i32
    %dma_wait3A_384 = tpu.memref_slice %arg6[%dma_wait3A_366, %dma_wait3A_381, %dma_wait3A_382, %dma_wait3A_383] : memref<2x8x50x64xf32, #tpu.memory_space<vmem>> -> memref<1x8x50x64xf32, #tpu.memory_space<vmem>>
    %dma_wait3A_385 = tpu.memref_squeeze %dma_wait3A_384 : memref<1x8x50x64xf32, #tpu.memory_space<vmem>> -> memref<8x50x64xf32, #tpu.memory_space<vmem>>
    tpu.wait_dma2 semaphore(%dma_wait3A_377 : memref<!tpu.dma_semaphore, #tpu.memory_space<semaphore_mem>>) src(%dma_wait3A_385 : memref<8x50x64xf32, #tpu.memory_space<vmem>>) dst(%dma_wait3A_380 : memref<8x50x64xf32, #tpu.memory_space<hbm>>)
    return
  }
}

</mosaic_0001>

<sc_bundles>
// kernel: kernel.3.cloned.1.call-start
scs
__scs_entry_jumppad:
0x0: {  	(pc) =	sbr.rel $0x88, $3  }
0x1: {  	(tag) =	ssettag $0x0;
	lr =	simm.s32 $0x1  }
0x2: {  	[smem:$0x3F9F] =	sst lr;
	_ =	strace $0xD0000000  }
0x3: {  	_ = 	snop  }
0x4: {  	_ = 	snop  }
0x5: {  	_ = 	snop  }
0x6: {  	_ = 	snop  }
0x7: {  	_ = 	snop  }
__scs_overlays_trampoline_lowered:
0x8: {  	[smem:$0x3FAE] =	sst s0  }
0x9: {  	[smem:$0x3FAF] =	sst s1  }
0xa: {  	[smem:$0x3FB0] =	sst s2  }
0xb: {  	[smem:$0x3FB1] =	sst s3  }
0xc: {  	[smem:$0x3FB2] =	sst s4  }
0xd: {  	[smem:$0x3FB3] =	sst s5  }
0xe: {  	[smem:$0x3FB4] =	sst s6  }
0xf: {  	[smem:$0x3FB5] =	sst s7  }
0x10: {  	[smem:$0x3FB6] =	sst s8  }
0x11: {  	[smem:$0x3FB7] =	sst s9;
	s0 =	simm.s32 @!p0 $0x0  }
0x12: {  	s1 =	sld [smem:$0x3F9D];
	s0 =	simm.s32 @p0 $0x1  }
0x13: {  	[smem:$0x3FB8] =	sst s0;
	s0 =	simm.s32 @!p1 $0x0  }
0x14: {  	s2 =	sld [smem:$0x3F9C];
	s0 =	simm.s32 @p1 $0x1  }
0x15: {  	[smem:$0x3FB9] =	sst s0;
	s0 =	simm.s32 @!p2 $0x0  }
0x16: {  	s3 =	sld [smem:$0x3FDB];
	s0 =	simm.s32 @p2 $0x1  }
0x17: {  	s4 =	simm.s32 $0x1BF5;
	[smem:$0x3FBB] =	sst s0  }
0x18: {  	s0 =	sld [smem:$0x3F9E];
	_ =	swait.ge [sflag:s4], $0x0  }
0x19: {  	s7 =	sld [smem:$0x3F9F]  }
0x1a: {  	s8 =	sadd.s32 $0xFFFFE003, lr  }
0x1b: {  	s9 =	sadd.s32 $0xFFFFFEF7, lr;
	s5 =	simm.s32 $0xFFFFFFFF;
	p2 =	slt.u32 s8, $0xFFFFF086  }
0x1c: {  	p1 =	slt.u32 s9, $0xF7A;
	s5 =	simm.s32 @!p2 $0x0  }
0x1d: {  	s5 =	simm.s32 @p1 $0x1;
	p0 =	seq.s32 s7, s2  }
0x1e: {  	s7 =	smul.u32 @!p0 $0xF7A, s2;
	p2 =	seq.s32 @!p0 s5, $0x0  }
0x1f: {  	s9 =	smul.u32 $0xF7A, s1;
	s8 =	simm.s32 @!p0 $0x1BF5;
	p2 =	por !p2, p0  }
0x20: {  	[sflag:s8] =	ssyncset.s32 @!p0 $0xFFFFF086;
	s6 =	sadd.s32 @!p0 s3, s7;
	s7 =	simm.s32 @!p0 $0x108  }
0x21: {  	s3 =	sadd.s32 s3, s9;
	s6 =	sadd.s32 @!p0 $0x88, s6;
	s7 =	simm.s32 @p2 $0x1082  }
0x22: {  	[simem:s7], [sflag:s8] =	dma.local @!p0 [hbm:s6], $0xF7A  }
0x23: {  	s9 =	sor.u32 $0xD0000000, s2;
	s6 =	simm.s32 $0x108;
	_ =	swait.ge @!p0 [sflag:s8], $0x0  }
0x24: {  	s3 =	sadd.s32 $0x88, s3;
	s6 =	simm.s32 @!p1 $0x1082;
	[sflag:s4] =	ssyncset.s32 $0xFFFFF086  }
0x25: {  	[simem:s6], [sflag:s4] =	dma.local [hbm:s3], $0xF7A  }
0x26: {  	[smem:$0x3F9F] =	sst s1;
	(tag) =	ssettag s2;
	_ =	strace s9  }
0x27: {  	s1 =	sld [smem:$0x3FAF]  }
0x28: {  	s2 =	sld [smem:$0x3FB0]  }
0x29: {  	s4 =	sld [smem:$0x3FB2]  }
0x2a: {  	p0 =	seq.s32 s5, $0x0;
	s5 =	sld [smem:$0x3FB3]  }
0x2b: {  	s6 =	sld [smem:$0x3FB4]  }
0x2c: {  	s7 =	sld [smem:$0x3FB5]  }
0x2d: {  	s3 =	simm.s32 $0x108;
	s8 =	sld [smem:$0x3FB6]  }
0x2e: {  	s3 =	simm.s32 @!p0 $0x1082;
	s9 =	sld [smem:$0x3FB7]  }
0x2f: {  	lr =	sadd.s32 s0, s3;
	s0 =	sld [smem:$0x3FAE]  }
0x30: {  	s3 =	sld [smem:$0x3FB1]  }
0x31: {  	[smem:$0x3FBA] =	sst s10  }
0x32: {  	s10 =	sld [smem:$0x3FB8];
	_ =	sdelay $0x3  }
0x33: {  	p0 =	seq.s32 s10, $0x1;
	s10 =	sld [smem:$0x3FBA];
	_ =	sdelay $0x3  }
0x34: {  	[smem:$0x3FBA] =	sst s10  }
0x35: {  	s10 =	sld [smem:$0x3FB9];
	_ =	sdelay $0x3  }
0x36: {  	p1 =	seq.s32 s10, $0x1;
	s10 =	sld [smem:$0x3FBA];
	_ =	sdelay $0x3  }
0x37: {  	[smem:$0x3FBA] =	sst s10  }
0x38: {  	s10 =	sld [smem:$0x3FBB]  }
0x39: {  	_ = 	snop;
	(pc) =	sbr.ind lr, $3  }
0x3a: {  	_ = 	snop  }
0x3b: {  	_ = 	snop  }
0x3c: {  	p2 =	seq.s32 s10, $0x1;
	s10 =	sld [smem:$0x3FBA]  }
0x3d: {  	_ =	shalt  }
0x3e: {  	_ =	shalt  }
0x3f: {  	_ =	shalt  }
0x40: {  	_ =	shalt  }
0x41: {  	_ =	shalt  }
0x42: {  	_ =	shalt  }
0x43: {  	_ =	shalt  }
0x44: {  	_ =	shalt  }
0x45: {  	_ =	shalt  }
0x46: {  	_ =	shalt  }
0x47: {  	_ =	shalt  }
0x48: {  	_ =	shalt  }
0x49: {  	_ =	shalt  }
0x4a: {  	_ =	shalt  }
0x4b: {  	_ =	shalt  }
0x4c: {  	_ =	shalt  }
0x4d: {  	_ =	shalt  }
0x4e: {  	_ =	shalt  }
0x4f: {  	_ =	shalt  }
0x50: {  	_ =	shalt  }
0x51: {  	_ =	shalt  }
0x52: {  	_ =	shalt  }
0x53: {  	_ =	shalt  }
0x54: {  	_ =	shalt  }
0x55: {  	_ =	shalt  }
0x56: {  	_ =	shalt  }
0x57: {  	_ =	shalt  }
0x58: {  	_ =	shalt  }
0x59: {  	_ =	shalt  }
0x5a: {  	_ =	shalt  }
0x5b: {  	_ =	shalt  }
0x5c: {  	_ =	shalt  }
0x5d: {  	_ =	shalt  }
0x5e: {  	_ =	shalt  }
0x5f: {  	_ =	shalt  }
0x60: {  	_ =	shalt  }
0x61: {  	_ =	shalt  }
0x62: {  	_ =	shalt  }
0x63: {  	_ =	shalt  }
0x64: {  	_ =	shalt  }
0x65: {  	_ =	shalt  }
0x66: {  	_ =	shalt  }
0x67: {  	_ =	shalt  }
0x68: {  	_ =	shalt  }
0x69: {  	_ =	shalt  }
0x6a: {  	_ =	shalt  }
0x6b: {  	_ =	shalt  }
0x6c: {  	_ =	shalt  }
0x6d: {  	_ =	shalt  }
0x6e: {  	_ =	shalt  }
0x6f: {  	_ =	shalt  }
0x70: {  	_ =	shalt  }
0x71: {  	_ =	shalt  }
0x72: {  	_ =	shalt  }
0x73: {  	_ =	shalt  }
0x74: {  	_ =	shalt  }
0x75: {  	_ =	shalt  }
0x76: {  	_ =	shalt  }
0x77: {  	_ =	shalt  }
0x78: {  	_ =	shalt  }
0x79: {  	_ =	shalt  }
0x7a: {  	_ =	shalt  }
0x7b: {  	_ =	shalt  }
0x7c: {  	_ =	shalt  }
0x7d: {  	_ =	shalt  }
0x7e: {  	_ =	shalt  }
0x7f: {  	_ =	shalt  }
0x80: {  	_ =	shalt  }
0x81: {  	_ =	shalt  }
0x82: {  	_ =	shalt  }
0x83: {  	_ =	shalt  }
0x84: {  	_ =	shalt  }
0x85: {  	_ =	shalt  }
0x86: {  	_ =	shalt  }
0x87: {  	_ =	shalt  }
.Lfunc_end0:
.L_simem_size_0:
called_computation.1_lowered:
.L_overlay_start_0:
0x88: {  	s2 =	sld [smem:$0x3FD9]  }
0x89: {  	s3 =	sld [smem:$0x3FFE];
	_ =	sdelay $0x1  }
0x8a: {  	s1 =	srdreg.scid  }
0x8b: {  	s0 =	sand.u32 $0x1, s1  }
0x8c: {  	s17 =	sshll.u32 s0, $0xA;
	s2 =	sadd.s32 s3, s2  }
0x8d: {  	s2 =	sadd.s32 s2, s17  }
0x8e: {  	[smem:$0x3FC6] =	sst s2  }
0x8f: {  	_ = 	snop  }
0x90: {  	s2 =	sld [smem:$0x3FD0];
	(tm) =	ssettm $0x1  }
0x91: {  	s18 =	sld [smem:$0x3FFB];
	_ =	sdelay $0x3  }
0x92: {  	_ =	strace s18  }
0x93: {  	s3 =	sld [smem:$0x3FFC];
	_ =	sdelay $0x3  }
0x94: {  	_ =	strace s3  }
0x95: {  	s3 =	sld [smem:$0x3FFD];
	_ =	sdelay $0x3  }
0x96: {  	_ =	strace s3  }
0x97: {  	_ =	strace $0x8FFFFFFF  }
0x98: {  	s19 =	sld [smem:$0x3FDB];
	_ =	sdelay $0x1  }
0x99: {  	s4 =	simm.s32 $_scs_section_size  }
0x9a: {  	s5 =	simm.s32 $_size__tile_overlayer_lowered;
	s6 =	simm.s32 $_tile_overlayer_lowered  }
0x9b: {  	s22 =	simm.s32 $0x1BFF;
	s21 =	sshll.u32 s6, $0x1;
	s3 =	sadd.s32 s4, s19  }
0x9c: {  	s7 =	simm.s32 $0x0;
	s20 =	sshll.u32 s5, $0x1;
	s5 =	sadd.s32 s21, s3  }
0x9d: {  	[timem:s7], [sflag:s22] =	dma.local [hbm:s5], s20  }
0x9e: {  	_ =	swait.ge [sflag:s22], s20  }
0x9f: {  	s4 =	ssub.s32 $0x0, s20;
	[sflag:s22] =	ssyncset.done $0x0  }
0xa0: {  	[sflag:s22] =	ssyncadd.s32 s4;
	_ =	sdelay $0x1  }
0xa1: {  	s23 =	simm.s32 $0x1B8B  }
0xa2: {  	_ =	swait.ge [sflag:s23], $0x1  }
0xa3: {  	[sflag:s23] =	ssyncset.done $0x0  }
0xa4: {  	s25 =	simm.s32 $0x1B8E;
	s24 =	sld [smem:$0x3FFE];
	[sflag:s23] =	ssyncadd.s32 $0xFFFFFFFF  }
0xa5: {  	s26 =	simm.s32 $execute0_lowered;
	[smem:$0x3FD2] =	sst s25  }
0xa6: {  	s5 =	sshll.u32 s26, $0x1;
	_ =	strace $0x80000046;
	[dreg:$0x1] =	wrdreg $0xFFFFFFFF  }
0xa7: {  	s28 =	simm.s32 $_size_execute0_lowered;
	s3 =	sadd.s32 s3, s5;
	[dreg:$0x0] =	wrdreg $0x0  }
0xa8: {  	s5 =	sshll.u32 s28, $0x1;
	[dreg:$0x2] =	wrdreg s3  }
0xa9: {  	[dreg:$0x3] =	wrdreg s5  }
0xaa: {  	[dreg:$0x4] =	wrdreg $0xC0  }
0xab: {  	_ =	task [dreg:s7], $0x5FFFF  }
0xac: {  	[dreg:$0x1] =	wrdreg $0xFFFFFFFF  }
0xad: {  	[dreg:$0x0] =	wrdreg $0x60  }
0xae: {  	[dreg:$0x2] =	wrdreg s24  }
0xaf: {  	[dreg:$0x3] =	wrdreg s2  }
0xb0: {  	[dreg:$0x4] =	wrdreg $0x9  }
0xb1: {  	_ =	task.clear_ibuf [dreg:s7], $0x5FFFF;
	_ =	strace $0x90000046  }
0xb2: {  	s29 =	simm.s32 $0x9;
	_ =	strace $0x80000048  }
0xb3: {  	_ =	swait.ge [sflag:s29], $0x1  }
0xb4: {  	[sflag:s29] =	ssyncadd.s32 $0xFFFFFFFF  }
0xb5: {  	_ =	strace $0x90000048  }
0xb6: {  	_ =	sfence  }
0xb7: {  	s30 =	sld [smem:$0x0];
	_ =	sdelay $0x2  }
0xb8: {  	s31 =	sshll.u32 s1, $0xD;
	s1 =	sshrl.u32 s1, $0x2  }
0xb9: {  	s3 =	sand.u32 $0x4000, s31;
	s1 =	sadd.s32 s1, s30  }
0xba: {  	s0 =	sor.u32 s3, s0;
	s1 =	sshll.u32 s1, $0x11  }
0xbb: {  	s0 =	sor.u32 s1, s0  }
0xbc: {  	s0 =	sadd.s32 $0x8F2B, s0  }
0xbd: {  	[sflag:s0] =	ssyncadd.remote.s32 $0x1  }
0xbe: {  	_ =	sfence.sel $0xFFFF  }
0xbf: {  	[dreg:$0x0] =	wrdreg $0xFFFFFFFF;
	(pc) =	sbr.abs _section_cstart, $3  }
0xc0: {  	[dreg:$0x1] =	wrdreg $0xFFFFFFFF  }
0xc1: {  	_ =	task.clear_ibuf [dreg:s7], $0x2FFFF;
	_ =	strace $0x9FFFFFFF  }
0xc2: {  	(tm) =	ssettm $0x7FFFFFFF  }
0xc3: {  	_ =	shalt  }
tec
execute0_lowered:
.L_overlay_start_1:
0x0: {  	(tag) =	ssettag $0x1  }
0x1: {  	s0 =	srdreg.scid  }
0x2: {  	s8 =	stileid.u32;
	s1 =	rddreg [dreg:$0x0]  }
0x3: {  	s4 =	rddreg [dreg:$0x1];
	s9 =	simm.s32 $0x5;
	s10 =	simm.s32 $0x32  }
0x4: {  	s11 =	simm.s32 $0x7000;
	s13 =	simm.s32 $0x7C80;
	s15 =	simm.s32 $0x8900  }
0x5: {  	s17 =	simm.s32 $0x9580;
	s19 =	simm.s32 $0xA200;
	s21 =	simm.s32 $0xAE80  }
0x6: {  	s28 =	simm.s32 $0xD400;
	s30 =	simm.s32 $0xE080;
	s12 =	simm.s32 $0xF980  }
0x7: {  	s16 =	simm.s32 $0x10600;
	s20 =	simm.s32 $0x11280;
	s29 =	simm.s32 $0x12B80  }
0x8: {  	s31 =	simm.s32 $0x1;
	s14 =	simm.s32 $0x2;
	s18 =	simm.s32 $0x4  }
0x9: {  	s22 =	simm.s32 $0x0;
	s0 =	sand.u32 $0x1, s0;
	s2 =	sshll.u32 s8, $0xA  }
0xa: {  	s8 =	smul.u32 $0x64000, s8;
	s3 =	sshll.u32 s0, $0x9;
	s7 =	ssub.s32 $0x2, s0  }
0xb: {  	s0 =	smul.u32 $0x32000, s0;
	s3 =	sor.u32 s3, s2;
	s2 =	simm.s32 $0x0  }
0xc: {  	s23 =	sshrl.u32 s7, $0x1;
	s26 =	sadd.s32 s8, s4;
	s5 =	smul.u32 $0x7, s3  }
0xd: {  	[smem:$0x7FF] =	sst s2;
	s6 =	smul.u32 $0xC80, s3;
	s3 =	sadd.s32 $0xF43000, s1  }
0xe: {  	s8 =	sadd.s32 s0, s26;
	s0 =	simm.s32 $0x3;
	_ =	strace $0x80000047  }
0xf: {  	s5 =	sadd.s32 s5, s1;
	s6 =	sshrl.u32 s6, $0x3;
	s1 =	ssub.s32 s7, s23  }
0x10: {  	s23 =	simm.s32 $0xBB00;
	s6 =	sadd.s32 s4, s6;
	s5 =	sadd.s32 $0xA00, s5  }
0x11: {  	s7 =	smax.u32 s1, $0x1;
	[dreg:$0x3] =	wrdreg s5;
	s24 =	sadd.s32 $0x30700, s6  }
0x12: {  	s1 =	simm.s32 $0xED00;
	s25 =	sadd.s32 $0x31380, s6;
	[dreg:$0x4] =	wrdreg s24  }
0x13: {  	[dreg:$0x5] =	wrdreg s25;
	s25 =	simm.s32 $0xC780;
	s24 =	simm.s32 $0x11F00  }
.LBB2_1:
0x14: {  	s4 =	rddreg [dreg:$0x3]  }
0x15: {  	[tilespmem:s2], [sflag:$0x5] =	stream.linear.gather [hbm4b:s4+s2], $0x7000, $0x38;
	[tilespmem:$0x13800] =	vst v63  }
0x16: {  	_ =	swait.ge [sflag:s9], $0x7000  }
0x17: {  	[sflag:s9] =	ssyncset.done $0x0  }
0x18: {  	[sflag:s9] =	ssyncadd.s32 $0xFFFF9000  }
0x19: {  	[tilespmem:s11], [sflag:$0x1] =	stream.indirect.gather [hbm4b:s3+s10], $0x40, s2, s10, $0xb8;
	[tilespmem:$0x13800] =	vst v63  }
0x1a: {  	s26 =	simm.s32 $0x38  }
0x1b: {  	[tilespmem:s13], [sflag:$0x1] =	stream.indirect.gather [hbm4b:s3+s10], $0x40, s26, s10, $0xb8;
	[tilespmem:$0x13800] =	vst v63  }
0x1c: {  	s5 =	simm.s32 $0x70  }
0x1d: {  	[tilespmem:s15], [sflag:$0x1] =	stream.indirect.gather [hbm4b:s3+s10], $0x40, s5, s10, $0xb8;
	[tilespmem:$0x13800] =	vst v63  }
0x1e: {  	s6 =	simm.s32 $0xA8  }
0x1f: {  	[tilespmem:s17], [sflag:$0x1] =	stream.indirect.gather [hbm4b:s3+s10], $0x40, s6, s10, $0xb8;
	[tilespmem:$0x13800] =	vst v63  }
0x20: {  	s26 =	simm.s32 $0xE0  }
0x21: {  	[tilespmem:s19], [sflag:$0x1] =	stream.indirect.gather [hbm4b:s3+s10], $0x40, s26, s10, $0xb8;
	[tilespmem:$0x13800] =	vst v63  }
0x22: {  	s5 =	simm.s32 $0x118  }
0x23: {  	[tilespmem:s21], [sflag:$0x1] =	stream.indirect.gather [hbm4b:s3+s10], $0x40, s5, s10, $0xb8;
	[tilespmem:$0x13800] =	vst v63  }
0x24: {  	s6 =	simm.s32 $0x150  }
0x25: {  	[tilespmem:s23], [sflag:$0x1] =	stream.indirect.gather [hbm4b:s3+s10], $0x40, s6, s10, $0xb8;
	[tilespmem:$0x13800] =	vst v63  }
0x26: {  	s26 =	simm.s32 $0x188  }
0x27: {  	[tilespmem:s25], [sflag:$0x1] =	stream.indirect.gather [hbm4b:s3+s10], $0x40, s26, s10, $0xb8;
	[tilespmem:$0x13800] =	vst v63  }
0x28: {  	s5 =	simm.s32 $0x1C0  }
0x29: {  	[tilespmem:s28], [sflag:$0x2] =	stream.indirect.gather [hbm4b:s3+s10], $0x40, s5, s10, $0xb8;
	[tilespmem:$0x13800] =	vst v63  }
0x2a: {  	s6 =	simm.s32 $0x1F8  }
0x2b: {  	[tilespmem:s30], [sflag:$0x2] =	stream.indirect.gather [hbm4b:s3+s10], $0x40, s6, s10, $0xb8;
	[tilespmem:$0x13800] =	vst v63  }
0x2c: {  	s26 =	simm.s32 $0x230  }
0x2d: {  	[tilespmem:s1], [sflag:$0x2] =	stream.indirect.gather [hbm4b:s3+s10], $0x40, s26, s10, $0xb8;
	[tilespmem:$0x13800] =	vst v63  }
0x2e: {  	s5 =	simm.s32 $0x268  }
0x2f: {  	[tilespmem:s12], [sflag:$0x2] =	stream.indirect.gather [hbm4b:s3+s10], $0x40, s5, s10, $0xb8;
	[tilespmem:$0x13800] =	vst v63  }
0x30: {  	s6 =	simm.s32 $0x2A0  }
0x31: {  	[tilespmem:s16], [sflag:$0x2] =	stream.indirect.gather [hbm4b:s3+s10], $0x40, s6, s10, $0xb8;
	[tilespmem:$0x13800] =	vst v63  }
0x32: {  	s26 =	simm.s32 $0x2D8  }
0x33: {  	[tilespmem:s20], [sflag:$0x2] =	stream.indirect.gather [hbm4b:s3+s10], $0x40, s26, s10, $0xb8;
	[tilespmem:$0x13800] =	vst v63  }
0x34: {  	s5 =	simm.s32 $0x310  }
0x35: {  	[tilespmem:s24], [sflag:$0x2] =	stream.indirect.gather [hbm4b:s3+s10], $0x40, s5, s10, $0xb8;
	[tilespmem:$0x13800] =	vst v63  }
0x36: {  	s6 =	simm.s32 $0x348  }
0x37: {  	[tilespmem:s29], [sflag:$0x2] =	stream.indirect.gather [hbm4b:s3+s10], $0x40, s6, s10, $0xb8;
	[tilespmem:$0x13800] =	vst v63  }
0x38: {  	_ =	swait.ge [sflag:s31], $0x6400  }
0x39: {  	[sflag:s31] =	ssyncset.done $0x0  }
0x3a: {  	[sflag:s31] =	ssyncadd.s32 $0xFFFF9C00  }
0x3b: {  	[hbm4b:s8+s2] =	stream.linear.scatter [tilespmem:s11], [sflag:$0x3], $0x6400, $0x38;
	[tilespmem:$0x13800] =	vst v63  }
0x3c: {  	_ =	swait.ge [sflag:s0], $0x6400  }
0x3d: {  	[sflag:s0] =	ssyncset.done $0x0  }
0x3e: {  	s26 =	simm.s32 $0x380;
	[sflag:s0] =	ssyncadd.s32 $0xFFFF9C00  }
0x3f: {  	[tilespmem:s11], [sflag:$0x1] =	stream.indirect.gather [hbm4b:s3+s10], $0x40, s26, s10, $0xb8;
	[tilespmem:$0x13800] =	vst v63  }
0x40: {  	s5 =	simm.s32 $0x3B8  }
0x41: {  	[tilespmem:s13], [sflag:$0x1] =	stream.indirect.gather [hbm4b:s3+s10], $0x40, s5, s10, $0xb8;
	[tilespmem:$0x13800] =	vst v63  }
0x42: {  	s6 =	simm.s32 $0x3F0  }
0x43: {  	[tilespmem:s15], [sflag:$0x1] =	stream.indirect.gather [hbm4b:s3+s10], $0x40, s6, s10, $0xb8;
	[tilespmem:$0x13800] =	vst v63  }
0x44: {  	s26 =	simm.s32 $0x428  }
0x45: {  	[tilespmem:s17], [sflag:$0x1] =	stream.indirect.gather [hbm4b:s3+s10], $0x40, s26, s10, $0xb8;
	[tilespmem:$0x13800] =	vst v63  }
0x46: {  	s5 =	simm.s32 $0x460  }
0x47: {  	[tilespmem:s19], [sflag:$0x1] =	stream.indirect.gather [hbm4b:s3+s10], $0x40, s5, s10, $0xb8;
	[tilespmem:$0x13800] =	vst v63  }
0x48: {  	s6 =	simm.s32 $0x498  }
0x49: {  	[tilespmem:s21], [sflag:$0x1] =	stream.indirect.gather [hbm4b:s3+s10], $0x40, s6, s10, $0xb8;
	[tilespmem:$0x13800] =	vst v63  }
0x4a: {  	s26 =	simm.s32 $0x4D0  }
0x4b: {  	[tilespmem:s23], [sflag:$0x1] =	stream.indirect.gather [hbm4b:s3+s10], $0x40, s26, s10, $0xb8;
	[tilespmem:$0x13800] =	vst v63  }
0x4c: {  	s5 =	simm.s32 $0x508  }
0x4d: {  	[tilespmem:s25], [sflag:$0x1] =	stream.indirect.gather [hbm4b:s3+s10], $0x40, s5, s10, $0xb8;
	[tilespmem:$0x13800] =	vst v63  }
0x4e: {  	_ =	swait.ge [sflag:s14], $0x6400  }
0x4f: {  	[sflag:s14] =	ssyncset.done $0x0  }
0x50: {  	s6 =	sadd.s32 $0xC80, s8;
	[sflag:s14] =	ssyncadd.s32 $0xFFFF9C00  }
0x51: {  	[hbm4b:s6+s2] =	stream.linear.scatter [tilespmem:s28], [sflag:$0x4], $0x6400, $0x38;
	[tilespmem:$0x13800] =	vst v63  }
0x52: {  	_ =	swait.ge [sflag:s18], $0x6400  }
0x53: {  	[sflag:s18] =	ssyncset.done $0x0  }
0x54: {  	s26 =	simm.s32 $0x540;
	[sflag:s18] =	ssyncadd.s32 $0xFFFF9C00  }
0x55: {  	[tilespmem:s28], [sflag:$0x2] =	stream.indirect.gather [hbm4b:s3+s10], $0x40, s26, s10, $0xb8;
	[tilespmem:$0x13800] =	vst v63  }
0x56: {  	s5 =	simm.s32 $0x578  }
0x57: {  	[tilespmem:s30], [sflag:$0x2] =	stream.indirect.gather [hbm4b:s3+s10], $0x40, s5, s10, $0xb8;
	[tilespmem:$0x13800] =	vst v63  }
0x58: {  	s6 =	simm.s32 $0x5B0  }
0x59: {  	[tilespmem:s1], [sflag:$0x2] =	stream.indirect.gather [hbm4b:s3+s10], $0x40, s6, s10, $0xb8;
	[tilespmem:$0x13800] =	vst v63  }
0x5a: {  	s26 =	simm.s32 $0x5E8  }
0x5b: {  	[tilespmem:s12], [sflag:$0x2] =	stream.indirect.gather [hbm4b:s3+s10], $0x40, s26, s10, $0xb8;
	[tilespmem:$0x13800] =	vst v63  }
0x5c: {  	s5 =	simm.s32 $0x620  }
0x5d: {  	[tilespmem:s16], [sflag:$0x2] =	stream.indirect.gather [hbm4b:s3+s10], $0x40, s5, s10, $0xb8;
	[tilespmem:$0x13800] =	vst v63  }
0x5e: {  	s6 =	simm.s32 $0x658  }
0x5f: {  	[tilespmem:s20], [sflag:$0x2] =	stream.indirect.gather [hbm4b:s3+s10], $0x40, s6, s10, $0xb8;
	[tilespmem:$0x13800] =	vst v63  }
0x60: {  	s26 =	simm.s32 $0x690  }
0x61: {  	[tilespmem:s24], [sflag:$0x2] =	stream.indirect.gather [hbm4b:s3+s10], $0x40, s26, s10, $0xb8;
	[tilespmem:$0x13800] =	vst v63  }
0x62: {  	s4 =	sadd.s32 $0x1900, s8;
	s5 =	simm.s32 $0x6C8;
	s26 =	simm.s32 $0xE00  }
.LBB2_2:
0x63: {  	[tilespmem:s29], [sflag:$0x2] =	stream.indirect.gather [hbm4b:s3+s10], $0x40, s5, s10, $0xb8;
	[tilespmem:$0x13800] =	vst v63  }
0x64: {  	s5 =	smov.u32 s26  }
0x65: {  	p0 =	sne.s32 s26, $0x1A400;
	s26 =	sadd.s32 $0xE00, s26;
	_ =	swait.ge [sflag:s31], $0x6400  }
0x66: {  	[sflag:s31] =	ssyncset.done $0x0  }
0x67: {  	[sflag:s31] =	ssyncadd.s32 $0xFFFF9C00  }
0x68: {  	[hbm4b:s4+s2] =	stream.linear.scatter [tilespmem:s11], [sflag:$0x3], $0x6400, $0x38;
	[tilespmem:$0x13800] =	vst v63  }
0x69: {  	_ =	swait.ge [sflag:s0], $0x6400  }
0x6a: {  	s5 =	sshra.s32 s5, $0x2;
	[sflag:s0] =	ssyncset.done $0x0  }
0x6b: {  	s6 =	sadd.s32 $0x380, s5;
	[sflag:s0] =	ssyncadd.s32 $0xFFFF9C00  }
0x6c: {  	[tilespmem:s11], [sflag:$0x1] =	stream.indirect.gather [hbm4b:s3+s10], $0x40, s6, s10, $0xb8;
	[tilespmem:$0x13800] =	vst v63  }
0x6d: {  	s6 =	sadd.s32 $0x3B8, s5  }
0x6e: {  	[tilespmem:s13], [sflag:$0x1] =	stream.indirect.gather [hbm4b:s3+s10], $0x40, s6, s10, $0xb8;
	[tilespmem:$0x13800] =	vst v63  }
0x6f: {  	s6 =	sadd.s32 $0x3F0, s5  }
0x70: {  	[tilespmem:s15], [sflag:$0x1] =	stream.indirect.gather [hbm4b:s3+s10], $0x40, s6, s10, $0xb8;
	[tilespmem:$0x13800] =	vst v63  }
0x71: {  	s6 =	sadd.s32 $0x428, s5  }
0x72: {  	[tilespmem:s17], [sflag:$0x1] =	stream.indirect.gather [hbm4b:s3+s10], $0x40, s6, s10, $0xb8;
	[tilespmem:$0x13800] =	vst v63  }
0x73: {  	s6 =	sadd.s32 $0x460, s5  }
0x74: {  	[tilespmem:s19], [sflag:$0x1] =	stream.indirect.gather [hbm4b:s3+s10], $0x40, s6, s10, $0xb8;
	[tilespmem:$0x13800] =	vst v63  }
0x75: {  	s6 =	sadd.s32 $0x498, s5  }
0x76: {  	[tilespmem:s21], [sflag:$0x1] =	stream.indirect.gather [hbm4b:s3+s10], $0x40, s6, s10, $0xb8;
	[tilespmem:$0x13800] =	vst v63  }
0x77: {  	s6 =	sadd.s32 $0x4D0, s5  }
0x78: {  	[tilespmem:s23], [sflag:$0x1] =	stream.indirect.gather [hbm4b:s3+s10], $0x40, s6, s10, $0xb8;
	[tilespmem:$0x13800] =	vst v63  }
0x79: {  	s6 =	sadd.s32 $0x508, s5  }
0x7a: {  	[tilespmem:s25], [sflag:$0x1] =	stream.indirect.gather [hbm4b:s3+s10], $0x40, s6, s10, $0xb8;
	[tilespmem:$0x13800] =	vst v63  }
0x7b: {  	_ =	swait.ge [sflag:s14], $0x6400  }
0x7c: {  	[sflag:s14] =	ssyncset.done $0x0  }
0x7d: {  	s6 =	sadd.s32 $0xC80, s4;
	[sflag:s14] =	ssyncadd.s32 $0xFFFF9C00  }
0x7e: {  	[hbm4b:s6+s2] =	stream.linear.scatter [tilespmem:s28], [sflag:$0x4], $0x6400, $0x38;
	[tilespmem:$0x13800] =	vst v63  }
0x7f: {  	_ =	swait.ge [sflag:s18], $0x6400  }
0x80: {  	[sflag:s18] =	ssyncset.done $0x0  }
0x81: {  	s6 =	sadd.s32 $0x540, s5;
	[sflag:s18] =	ssyncadd.s32 $0xFFFF9C00  }
0x82: {  	[tilespmem:s28], [sflag:$0x2] =	stream.indirect.gather [hbm4b:s3+s10], $0x40, s6, s10, $0xb8;
	[tilespmem:$0x13800] =	vst v63  }
0x83: {  	s6 =	sadd.s32 $0x578, s5  }
0x84: {  	[tilespmem:s30], [sflag:$0x2] =	stream.indirect.gather [hbm4b:s3+s10], $0x40, s6, s10, $0xb8;
	[tilespmem:$0x13800] =	vst v63  }
0x85: {  	s6 =	sadd.s32 $0x5B0, s5  }
0x86: {  	[tilespmem:s1], [sflag:$0x2] =	stream.indirect.gather [hbm4b:s3+s10], $0x40, s6, s10, $0xb8;
	[tilespmem:$0x13800] =	vst v63  }
0x87: {  	s6 =	sadd.s32 $0x5E8, s5  }
0x88: {  	[tilespmem:s12], [sflag:$0x2] =	stream.indirect.gather [hbm4b:s3+s10], $0x40, s6, s10, $0xb8;
	[tilespmem:$0x13800] =	vst v63  }
0x89: {  	s6 =	sadd.s32 $0x620, s5  }
0x8a: {  	[tilespmem:s16], [sflag:$0x2] =	stream.indirect.gather [hbm4b:s3+s10], $0x40, s6, s10, $0xb8;
	[tilespmem:$0x13800] =	vst v63  }
.Ltmp0:
0x8b: {  	s6 =	sadd.s32 $0x658, s5;
	(pc) =	sbr.rel @p0 .LBB2_2-.Ltmp0, $4  }
0x8c: {  	[tilespmem:s20], [sflag:$0x2] =	stream.indirect.gather [hbm4b:s3+s10], $0x40, s6, s10, $0xb8;
	[tilespmem:$0x13800] =	vst v63  }
0x8d: {  	s6 =	sadd.s32 $0x690, s5  }
0x8e: {  	[tilespmem:s24], [sflag:$0x2] =	stream.indirect.gather [hbm4b:s3+s10], $0x40, s6, s10, $0xb8;
	[tilespmem:$0x13800] =	vst v63  }
0x8f: {  	s4 =	sadd.s32 $0x1900, s4;
	s5 =	sadd.s32 $0x6C8, s5  }
0x90: {  	[tilespmem:s29], [sflag:$0x2] =	stream.indirect.gather [hbm4b:s3+s10], $0x40, s5, s10, $0xb8;
	[tilespmem:$0x13800] =	vst v63  }
0x91: {  	_ =	swait.ge [sflag:s31], $0x6400  }
0x92: {  	[sflag:s31] =	ssyncset.done $0x0  }
0x93: {  	s4 =	rddreg [dreg:$0x4];
	[sflag:s31] =	ssyncadd.s32 $0xFFFF9C00  }
0x94: {  	[hbm4b:s4+s2] =	stream.linear.scatter [tilespmem:s11], [sflag:$0x3], $0x6400, $0x38;
	[tilespmem:$0x13800] =	vst v63  }
0x95: {  	_ =	swait.ge [sflag:s0], $0x6400  }
0x96: {  	[sflag:s0] =	ssyncset.done $0x0  }
0x97: {  	[sflag:s0] =	ssyncadd.s32 $0xFFFF9C00  }
0x98: {  	s22 =	sadd.s32 $0x1, s22;
	_ =	swait.ge [sflag:s14], $0x6400  }
0x99: {  	p0 =	sne.s32 s22, s7;
	[sflag:s14] =	ssyncset.done $0x0  }
.Ltmp1:
0x9a: {  	s26 =	rddreg [dreg:$0x5];
	[sflag:s14] =	ssyncadd.s32 $0xFFFF9C00;
	(pc) =	sbr.rel @p0 .LBB2_1-.Ltmp1, $4  }
0x9b: {  	[hbm4b:s26+s2] =	stream.linear.scatter [tilespmem:s28], [sflag:$0x4], $0x6400, $0x38;
	[tilespmem:$0x13800] =	vst v63  }
0x9c: {  	_ =	swait.ge [sflag:s18], $0x6400  }
0x9d: {  	[sflag:s18] =	ssyncset.done $0x0  }
0x9e: {  	[sflag:s18] =	ssyncadd.s32 $0xFFFF9C00  }
0x9f: {  	_ =	sfence.sel $0x180000  }
0xa0: {  	[bflag:$0x0] =	sbarrier.arrive $0xFFFF  }
0xa1: {  	_ =	strace $0x90000047  }
0xa2: {  	s0 =	stileid.u32;
	[bflag:$0x2] =	sbarrier.arrive $0xFFFF  }
0xa3: {  	p0 =	sne.s32 s0, $0x0;
	s0 =	rddreg [dreg:$0x2]  }
0xa4: {  	s0 =	sadd.s32 @!p0 $0x100000, s0  }
0xa5: {  	[sflag:s0] =	ssyncadd.tile.s32 @!p0 $0x1;
	_ =	shalt  }
.Lfunc_end2:
_tile_overlayer_lowered:
.L_overlay_start_2:
0xa6: {  	(tag) =	ssettag $0x2  }
0xa7: {  	s0 =	rddreg [dreg:$0x0];
	s2 =	stileid.u32  }
0xa8: {  	s1 =	rddreg [dreg:$0x1];
	p0 =	sne.s32 s2, $0x0  }
0xa9: {  	s3 =	rddreg [dreg:$0x2];
	[bflag:$0x3] =	sbarrier.arrive $0xFFFF;
	s2 =	simm.s32 @!p0 $0x1C05  }
0xaa: {  	[timem:s3], [sflag:s2] =	dma.local @!p0 [hbm:s0], s1  }
0xab: {  	s0 =	simm.s32 @!p0 $0x5  }
0xac: {  	_ =	swait.ge @!p0 [sflag:s0], s1  }
0xad: {  	s1 =	ssub.s32 @!p0 $0x0, s1;
	[sflag:s0] =	ssyncset.done @!p0 $0x0  }
0xae: {  	[sflag:s0] =	ssyncadd.s32 @!p0 s1  }
0xaf: {  	[bflag:$0x3] =	sbarrier.arrive $0xFFFF  }
0xb0: {  	_ =	shalt  }

// kernel: sparse-core-data-format-call.cloned.1.call-start
scs
called_computation_lowered:
.L_overlay_start_0:
0x0: {  	s2 =	sld [smem:$0x3FD9]  }
0x1: {  	s3 =	sld [smem:$0x3FFE];
	_ =	sdelay $0x1  }
0x2: {  	s1 =	srdreg.scid  }
0x3: {  	s0 =	sand.u32 $0x1, s1  }
0x4: {  	s18 =	sshll.u32 s0, $0xA;
	s2 =	sadd.s32 s3, s2  }
0x5: {  	s2 =	sadd.s32 s2, s18  }
0x6: {  	[smem:$0x3FC6] =	sst s2  }
0x7: {  	_ = 	snop  }
0x8: {  	s2 =	sld [smem:$0x3FD0];
	(tm) =	ssettm $0x1  }
0x9: {  	s19 =	sld [smem:$0x3FFB];
	_ =	sdelay $0x3  }
0xa: {  	_ =	strace s19  }
0xb: {  	s3 =	sld [smem:$0x3FFC];
	_ =	sdelay $0x3  }
0xc: {  	_ =	strace s3  }
0xd: {  	s3 =	sld [smem:$0x3FFD];
	_ =	sdelay $0x3  }
0xe: {  	_ =	strace s3  }
0xf: {  	_ =	strace $0x8FFFFFFF  }
0x10: {  	s20 =	sld [smem:$0x3FDB];
	_ =	sdelay $0x1  }
0x11: {  	s4 =	simm.s32 $_scs_section_size  }
0x12: {  	s5 =	simm.s32 $_size__tile_overlayer_lowered;
	s6 =	simm.s32 $_tile_overlayer_lowered  }
0x13: {  	s23 =	simm.s32 $0x1BFF;
	s22 =	sshll.u32 s6, $0x1;
	s3 =	sadd.s32 s4, s20  }
0x14: {  	s7 =	simm.s32 $0x0;
	s21 =	sshll.u32 s5, $0x1;
	s5 =	sadd.s32 s22, s3  }
0x15: {  	[timem:s7], [sflag:s23] =	dma.local [hbm:s5], s21  }
0x16: {  	_ =	swait.ge [sflag:s23], s21  }
0x17: {  	s4 =	ssub.s32 $0x0, s21;
	[sflag:s23] =	ssyncset.done $0x0  }
0x18: {  	[sflag:s23] =	ssyncadd.s32 s4;
	_ =	sdelay $0x1  }
0x19: {  	s24 =	simm.s32 $0x1B8B  }
0x1a: {  	_ =	swait.ge [sflag:s24], $0x1  }
0x1b: {  	[sflag:s24] =	ssyncset.done $0x0  }
0x1c: {  	s26 =	simm.s32 $0x1B8E;
	s25 =	sld [smem:$0x3FFE];
	[sflag:s24] =	ssyncadd.s32 $0xFFFFFFFF  }
0x1d: {  	s27 =	simm.s32 $execute0_lowered;
	[smem:$0x3FD2] =	sst s26  }
0x1e: {  	s5 =	sshll.u32 s27, $0x1;
	_ =	strace $0x80000049;
	[dreg:$0x1] =	wrdreg $0xFFFFFFFF  }
0x1f: {  	s28 =	simm.s32 $_size_execute0_lowered;
	s3 =	sadd.s32 s3, s5;
	[dreg:$0x0] =	wrdreg $0x0  }
0x20: {  	s5 =	sshll.u32 s28, $0x1;
	[dreg:$0x2] =	wrdreg s3  }
0x21: {  	[dreg:$0x3] =	wrdreg s5  }
0x22: {  	[dreg:$0x4] =	wrdreg $0xC0  }
0x23: {  	_ =	task [dreg:s7], $0x5FFFF  }
0x24: {  	[dreg:$0x1] =	wrdreg $0xFFFFFFFF  }
0x25: {  	[dreg:$0x0] =	wrdreg $0x60  }
0x26: {  	[dreg:$0x2] =	wrdreg s25  }
0x27: {  	[dreg:$0x3] =	wrdreg s2  }
0x28: {  	[dreg:$0x4] =	wrdreg $0x9  }
0x29: {  	_ =	task.clear_ibuf [dreg:s7], $0x5FFFF;
	_ =	strace $0x90000049  }
0x2a: {  	s29 =	simm.s32 $0x9;
	_ =	strace $0x8000004B  }
0x2b: {  	_ =	swait.ge [sflag:s29], $0x1  }
0x2c: {  	[sflag:s29] =	ssyncadd.s32 $0xFFFFFFFF  }
0x2d: {  	_ =	strace $0x9000004B  }
0x2e: {  	_ =	sfence  }
0x2f: {  	s30 =	sld [smem:$0x0];
	_ =	sdelay $0x2  }
0x30: {  	s31 =	sshll.u32 s1, $0xD;
	s1 =	sshrl.u32 s1, $0x2  }
0x31: {  	s3 =	sand.u32 $0x4000, s31;
	s1 =	sadd.s32 s1, s30  }
0x32: {  	s0 =	sor.u32 s3, s0;
	s1 =	sshll.u32 s1, $0x11  }
0x33: {  	s0 =	sor.u32 s1, s0  }
0x34: {  	s0 =	sadd.s32 $0x8F2B, s0  }
0x35: {  	[sflag:s0] =	ssyncadd.remote.s32 $0x1  }
0x36: {  	_ =	sfence.sel $0xFFFF  }
0x37: {  	[dreg:$0x0] =	wrdreg $0xFFFFFFFF;
	(pc) =	sbr.abs _section_cstart, $3  }
0x38: {  	[dreg:$0x1] =	wrdreg $0xFFFFFFFF  }
0x39: {  	_ =	task.clear_ibuf [dreg:s7], $0x2FFFF;
	_ =	strace $0x9FFFFFFF  }
0x3a: {  	(tm) =	ssettm $0x7FFFFFFF  }
0x3b: {  	_ =	shalt  }
tec
execute0_lowered:
.L_overlay_start_1:
0x0: {  	(tag) =	ssettag $0x1  }
0x1: {  	s0 =	srdreg.scid  }
0x2: {  	s1 =	sshll.u32 s0, $0x4  }
0x3: {  	s0 =	stileid.u32;
	s1 =	sand.u32 $0x10, s1  }
0x4: {  	s1 =	sor.u32 s0, s1  }
0x5: {  	s6 =	rddreg [dreg:$0x0];
	s4 =	simm.s32 $0x1;
	s2 =	sshll.u32 s1, $0x7  }
0x6: {  	s7 =	simm.s32 $0x2;
	s12 =	simm.s32 $0x0;
	s1 =	ssub.s32 $0x4000, s2  }
0x7: {  	s8 =	simm.s32 $0x20000;
	s13 =	simm.s32 $0x0;
	s3 =	sand.u32 $0xF80, s1  }
0x8: {  	s9 =	simm.s32 $0x0;
	s5 =	sshrl.u32 s1, $0xC;
	p0 =	sne.s32 s3, $0x0  }
.Ltmp0:
0x9: {  	s1 =	rddreg [dreg:$0x2];
	s4 =	simm.s32 @!p0 $0x0;
	(pc) =	sbr.rel .LBB1_1-.Ltmp0, $4  }
0xa: {  	s11 =	simm.s32 $0x0;
	s3 =	rddreg [dreg:$0x1];
	s5 =	sadd.s32 s4, s5  }
0xb: {  	_ =	strace $0x8000004A;
	s4 =	simm.s32 $0x1;
	s5 =	smul.u32 $0x32, s5  }
0xc: {  	s6 =	sadd.s32 $0xA00, s6;
	s10 =	smov.u32 s2;
	[sflag:s4] =	ssyncpa.u1 $0x0  }
0xd: {  	p0 =	por $0x0, $0x0;
	[sflag:s7] =	ssyncpa.u1 $0x0;
	s7 =	sor.u32 $0x1, s5  }
.LBB1_4:
0xe: {  	s16 =	sshll.u32 s13, $0x3;
	s17 =	sand.u32 $0x78, s13  }
0xf: {  	s30 =	sand.u32 $0x1F800, s13;
	s12 =	sshll.u32 s12, $0x11;
	s16 =	sand.u32 $0x3C00, s16  }
0x10: {  	[tilespmem:s15+$0x810 ss:$0x81] =	vst.msk $0xffff, v2;
	s31 =	sand.u32 $0x7, s13;
	s16 =	sor.u32 s17, s16;
	s17 =	sadd.s32 s3, s30  }
0x11: {  	[tilespmem:s15+$0x1020 ss:$0x81] =	vst.msk $0xffff, v0;
	s13 =	sshll.u32 s31, $0x12;
	s12 =	sadd.s32 s12, s17;
	s16 =	sshrl.u32 s16, $0x3  }
0x12: {  	[tilespmem:s15+$0x0 ss:$0x81] =	vst.msk $0xffff, v1;
	s13 =	sor.u32 $0x400, s13;
	s12 =	sadd.s32 s16, s12  }
0x13: {  	[hbm4b:s12+s13] =	stream.strided.scatter [tilespmem:s14], [sflag:$0x2], $0x2000, s8, s13, $0x20;
	[tilespmem:$0x8080] =	vst v63  }
.LBB1_5:
0x14: {  	s14 =	sadd.s32 $0x1, s9  }
0x15: {  	s12 =	sadd.s32 $0x1000, s10;
	s16 =	smov.u32 s10;
	p2 =	sgt.s32 s14, $0x31  }
0x16: {  	s16 =	smov.u32 @p2 s12  }
0x17: {  	s14 =	simm.s32 @p2 $0x0;
	p2 =	sgt.s32 s16, $0x3FFF  }
0x18: {  	s16 =	smov.u32 @p2 s2;
	p2 =	sne.s32 s11, s7  }
.Ltmp1:
0x19: {  	p1 =	slt.u32 s11, $0x2;
	(pc) =	sbr.rel @!p2 .LBB1_6-.Ltmp1, $4  }
0x1a: {  	s15 =	simm.s32 @!p1 $0x2  }
0x1b: {  	s13 =	smov.u32 s10;
	p0 =	por !p0, !p0;
	_ =	swait.ge @!p1 [sflag:s15], $0x2000  }
0x1c: {  	s12 =	smov.u32 s9;
	[sflag:s15] =	ssyncset.done @!p1 $0x0;
	s9 =	smov.u32 s14  }
0x1d: {  	s11 =	sadd.s32 $0x1, s11;
	[sflag:s15] =	ssyncadd.s32 @!p1 $0xFFFFE000;
	s10 =	smov.u32 s16  }
.LBB1_1:
0x1e: {  	p1 =	sge.u32 s11, s5  }
0x1f: {  	s14 =	sand.u32 @!p1 $0x1FFFFFF, s9  }
0x20: {  	s15 =	smulhi.u32 @!p1 $0x4924925, s14;
	_ =	sdelay $0x1  }
0x21: {  	s15 =	smul.u32 @!p1 $0x38, s15  }
0x22: {  	s16 =	sxor.u32 @!p1 $0xFFFFFFFF, s11;
	s17 =	smul.u32 @!p1 $0x380, s10  }
0x23: {  	s31 =	sadd.s32 $0xFFFFFFFF, s11;
	s16 =	sshll.u32 @!p1 s16, $0xD;
	s14 =	ssub.s32 @!p1 s14, s15  }
0x24: {  	s15 =	sand.u32 @!p1 $0x2000, s16;
	s16 =	sadd.s32 @!p1 s6, s17;
	s14 =	sshll.u32 @!p1 s14, $0x4  }
0x25: {  	s17 =	simm.s32 @!p1 $0x1C00;
	s14 =	sadd.s32 @!p1 s14, s16;
	s16 =	simm.s32 @!p1 $0x40  }
0x26: {  	[tilespmem:s15], [sflag:$0x1] =	stream.strided.gather @!p1 [hbm4b:s14+s16], $0x2000, s17, s16, $0x38;
	[tilespmem:$0x8080] =	vst v63  }
0x27: {  	p1 =	sge.u32 s31, s5  }
.Ltmp2:
0x28: {  	_ = 	snop;
	(pc) =	sbr.rel @p1 .LBB1_5-.Ltmp2, $1  }
0x29: {  	_ =	sdelay $0x3  }
0x2a: {  	s14 =	simm.s32 $0x1  }
0x2b: {  	_ =	swait.ge [sflag:s4], $0x2000;
	s14 =	simm.s32 @!p0 $0x0  }
0x2c: {  	[sflag:s4] =	ssyncset.done $0x0;
	s15 =	sshll.u32 s14, $0xD  }
0x2d: {  	[sflag:s4] =	ssyncadd.s32 $0xFFFFE000;
	s18 =	sor.u32 $0x20, s15  }
0x2e: {  	s14 =	smul.u32 $0x8100, s14;
	v3 =	vld [tilespmem:s18+$0x10]  }
0x2f: {  	s30 =	sand.u32 $0x1, s11;
	v2 =	vld [tilespmem:s18+$0xFFFFFFF0]  }
0x30: {  	s15 =	smul.u32 $0x8100, s30;
	s14 =	sshrl.u32 s14, $0x2;
	v0 =	vld [tilespmem:s18+$0x0]  }
0x31: {  	v1 =	vld [tilespmem:s18+$0xFFFFFFE0];
	s16 =	sor.u32 $0x4000, s14  }
0x32: {  	s31 =	sshrl.u32 s15, $0x2;
	s15 =	sadd.s32 $0x0, s16  }
0x33: {  	s17 =	simm.s32 $0x4;
	s18 =	sadd.s32 $0x40, s18;
	s14 =	sor.u32 $0x4000, s31;
	[tilespmem:s15+$0x1830 ss:$0x81] =	vst.msk $0xffff, v3  }
.LBB1_3:
0x34: {  	v3 =	vld [tilespmem:s18+$0x10];
	p1 =	sne.s32 s17, $0x1FC;
	[tilespmem:s15+$0x810 ss:$0x81] =	vst.msk $0xffff, v2;
	s19 =	smov.u32 s17;
	s17 =	sadd.s32 $0x4, s17  }
.Ltmp3:
0x35: {  	v2 =	vld [tilespmem:s18+$0xFFFFFFF0];
	[tilespmem:s15+$0x1020 ss:$0x81] =	vst.msk $0xffff, v0;
	(pc) =	sbr.rel @p1 .LBB1_3-.Ltmp3, $4  }
0x36: {  	v0 =	vld [tilespmem:s18+$0x0];
	[tilespmem:s15+$0x0 ss:$0x81] =	vst.msk $0xffff, v1  }
0x37: {  	s15 =	sshra.s32 s19, $0x2;
	v1 =	vld [tilespmem:s18+$0xFFFFFFE0]  }
0x38: {  	s15 =	sadd.s32 s15, s16  }
0x39: {  	s18 =	sadd.s32 $0x40, s18;
	[tilespmem:s15+$0x1830 ss:$0x81] =	vst.msk $0xffff, v3  }
.Ltmp4:
0x3a: {  	_ = 	snop;
	(pc) =	sbr.rel .LBB1_4-.Ltmp4, $1  }
0x3b: {  	_ =	sdelay $0x3  }
.LBB1_6:
0x3c: {  	_ =	sfence.sel $0x180000  }
0x3d: {  	s2 =	simm.s32 $0x1;
	[bflag:$0x0] =	sbarrier.arrive $0xFFFF  }
0x3e: {  	s31 =	simm.s32 $0x2;
	[sflag:s2] =	ssyncpa.u1 $0x1  }
0x3f: {  	[sflag:s31] =	ssyncpa.u1 $0x1  }
0x40: {  	p0 =	sne.s32 s0, $0x0;
	_ =	strace $0x9000004A  }
0x41: {  	s0 =	sadd.s32 @!p0 $0x100000, s1;
	[bflag:$0x2] =	sbarrier.arrive $0xFFFF  }
0x42: {  	[sflag:s0] =	ssyncadd.tile.s32 @!p0 $0x1;
	_ =	shalt  }
.Lfunc_end1:
_tile_overlayer_lowered:
.L_overlay_start_2:
0x43: {  	(tag) =	ssettag $0x2  }
0x44: {  	s0 =	rddreg [dreg:$0x0];
	s2 =	stileid.u32  }
0x45: {  	s1 =	rddreg [dreg:$0x1];
	p0 =	sne.s32 s2, $0x0  }
0x46: {  	s3 =	rddreg [dreg:$0x2];
	[bflag:$0x3] =	sbarrier.arrive $0xFFFF;
	s2 =	simm.s32 @!p0 $0x1C01  }
0x47: {  	[timem:s3], [sflag:s2] =	dma.local @!p0 [hbm:s0], s1  }
0x48: {  	s0 =	simm.s32 @!p0 $0x1  }
0x49: {  	_ =	swait.ge @!p0 [sflag:s0], s1  }
0x4a: {  	s1 =	ssub.s32 @!p0 $0x0, s1;
	[sflag:s0] =	ssyncset.done @!p0 $0x0  }
0x4b: {  	[sflag:s0] =	ssyncadd.s32 @!p0 s1  }
0x4c: {  	[bflag:$0x3] =	sbarrier.arrive $0xFFFF  }
0x4d: {  	_ =	shalt  }

</sc_bundles>
